<compile_context>
chip_gen: v7x
topology: tpu7x:2x2x1
jax: 0.10.2.dev20260603
libtpu: 0.0.44.dev20260713+nightly
codegen_flags: <defaults>
</compile_context>

<pallas_src>
import functools

import jax
import jax.numpy as jnp
from jax import lax
from jax.experimental import pallas as pl
from jax.experimental.pallas import tpu as pltpu
from jax.experimental.pallas import tpu_sc as plsc

N = 10000
E = 320000
DN = 128
DE = 16
NC = 2
NS = 16
DH = DN // NC
CHUNK = 128
NCHUNK = 158
EPT = NCHUNK * CHUNK
EPAD = NS * EPT
NP = 10240
RPT = NP // NS
WB = 320
NV = CHUNK // 16


def _sc_segment_sums(x_flat, row4, col3, attr2, ones_blk, z64, z16):
    mesh = plsc.VectorSubcoreMesh(core_axis_name="c", subcore_axis_name="s")

    @functools.partial(
        pl.kernel,
        mesh=mesh,
        compiler_params=pltpu.CompilerParams(use_tc_tiling_on_sc=False),
        out_type=[
            jax.ShapeDtypeStruct((NP, DN), jnp.float32),
            jax.ShapeDtypeStruct((NP, DN), jnp.float32),
        ],
        scratch_types=[
            pltpu.VMEM((NCHUNK, CHUNK), jnp.int32),
            pltpu.VMEM((CHUNK,), jnp.int32),
            pltpu.VMEM((CHUNK,), jnp.int32),
            pltpu.VMEM((CHUNK, DH), jnp.float32),
            pltpu.VMEM((CHUNK, DH), jnp.float32),
            pltpu.VMEM((CHUNK, DE), jnp.float32),
            pltpu.VMEM((CHUNK, DE), jnp.float32),
            pltpu.VMEM((CHUNK, DE), jnp.float32),
            pltpu.VMEM((WB, DH), jnp.float32),
            pltpu.VMEM((WB, DE), jnp.float32),
            pltpu.VMEM_SHARED((NP, DH), jnp.float32),
            pltpu.VMEM_SHARED((NP, DE), jnp.float32),
            pltpu.SemaphoreType.DMA,
            pltpu.SemaphoreType.DMA,
            pltpu.SemaphoreType.DMA,
            pltpu.SemaphoreType.DMA,
            pltpu.SemaphoreType.DMA,
            pltpu.SemaphoreType.DMA,
        ],
    )
    def k(x_hbm, row_hbm, col_hbm, attr_hbm, ones_hbm, z64_hbm, z16_hbm,
          sx_out, se_out,
          cidx, ridx0, ridx1, rows0, rows1, attr0, attr1, onesb, stx, ste,
          sx_acc, se_acc, i0, i1, g0, g1, a0, a1):
        c = lax.axis_index("c")
        s = lax.axis_index("s")
        rbase = s * RPT
        on_c0 = c == 0

        pltpu.sync_copy(z64_hbm, stx)
        pltpu.sync_copy(z16_hbm, ste)
        for w in range(RPT // WB):
            pltpu.sync_copy(stx, sx_acc.at[pl.ds(rbase + w * WB, WB)])
            pltpu.sync_copy(ste, se_acc.at[pl.ds(rbase + w * WB, WB)])

        pltpu.sync_copy(col_hbm.at[s], cidx)
        pltpu.sync_copy(ones_hbm, onesb)
        plsc.subcore_barrier()

        def issue(j, ibuf, rbuf, abuf, isem, gsem, asem):
            pltpu.make_async_copy(row_hbm.at[c, s, 0], ibuf, isem).wait()
            pltpu.async_copy(x_hbm.at[ibuf], rbuf, gsem)

            @pl.when(jnp.logical_and(on_c0, s * EPT + j * CHUNK < E))
            def _():
                pltpu.async_copy(attr_hbm.at[pl.ds(s * EPT + j * CHUNK, CHUNK)],
                                 abuf, asem)

        def drain(j, jn, ibuf, rbuf, abuf, isem, gsem, asem):
            pltpu.make_async_copy(x_hbm.at[pl.ds(0, CHUNK)], rbuf, gsem).wait()
            pltpu.async_copy(row_hbm.at[c, s, jn], ibuf, isem)
            pltpu.sync_copy(rbuf, sx_acc.at[cidx.at[j]], add=True)

            @pl.when(jnp.logical_and(on_c0, s * EPT + j * CHUNK < E))
            def _():
                pltpu.make_async_copy(attr_hbm.at[pl.ds(0, CHUNK)], abuf,
                                      asem).wait()
                pltpu.sync_copy(abuf, se_acc.at[cidx.at[j]], add=True)

            @pl.when(jnp.logical_not(on_c0))
            def _():
                pltpu.sync_copy(onesb, se_acc.at[cidx.at[j]], add=True)

        pltpu.async_copy(row_hbm.at[c, s, 0], ridx0, i0)
        pltpu.async_copy(row_hbm.at[c, s, 1], ridx1, i1)
        issue(0, ridx0, rows0, attr0, i0, g0, a0)
        issue(1, ridx1, rows1, attr1, i1, g1, a1)

        def body(i, carry):
            j0 = 2 * i
            drain(j0, j0 + 2, ridx0, rows0, attr0, i0, g0, a0)
            issue(j0 + 2, ridx0, rows0, attr0, i0, g0, a0)
            drain(j0 + 1, j0 + 3, ridx1, rows1, attr1, i1, g1, a1)
            issue(j0 + 3, ridx1, rows1, attr1, i1, g1, a1)
            return carry

        lax.fori_loop(0, NCHUNK // 2 - 1, body, 0)
        drain(NCHUNK - 2, 0, ridx0, rows0, attr0, i0, g0, a0)
        pltpu.make_async_copy(row_hbm.at[c, s, 0], ridx0, i0).wait()
        drain(NCHUNK - 1, 0, ridx1, rows1, attr1, i1, g1, a1)
        pltpu.make_async_copy(row_hbm.at[c, s, 0], ridx1, i1).wait()
        plsc.subcore_barrier()

        for w in range(RPT // WB):
            pltpu.sync_copy(sx_acc.at[pl.ds(rbase + w * WB, WB)], stx)
            pltpu.sync_copy(stx, sx_out.at[pl.ds(rbase + w * WB, WB),
                                           pl.ds(c * DH, DH)])
            pltpu.sync_copy(se_acc.at[pl.ds(rbase + w * WB, WB)], ste)
            pltpu.sync_copy(ste, se_out.at[pl.ds(rbase + w * WB, WB),
                                           pl.ds(c * DE, DE)])

    return k(x_flat, row4, col3, attr2, ones_blk, z64, z16)


def _tc_epilogue(x, sx, se,
                 W1_0, b1_0, W1_1, b1_1, W1_2, b1_2,
                 W2_0, b2_0, W2_1, b2_1, W2_2, b2_2):

    def body(x_ref, sx_ref, se_ref,
             w10, b10, w11, b11, w12, b12,
             w20, b20, w21, b21, w22, b22, out_ref):
        f32 = jnp.float32
        dot = lambda a, b: jnp.dot(a, b, preferred_element_type=f32)
        t12 = dot(w11[...], w12[...])
        w1c = dot(w10[...], t12)
        b1c = dot(b10[...], t12) + dot(b11[...], w12[...]) + b12[...]
        t22 = dot(w21[...], w22[...])
        w2c = dot(w20[...], t22)
        b2c = dot(b20[...], t22) + dot(b21[...], w22[...]) + b22[...]
        p = w2c[:DN]
        bmat = w2c[DN:]
        q = dot(w1c[:DN], bmat)
        r = dot(w1c[DN:], bmat)
        svec = dot(b1c, bmat)
        out_ref[...] = (dot(x_ref[...], p)
                        + dot(sx_ref[:N], q)
                        + dot(se_ref[:N, :DE], r)
                        + se_ref[:N, DE:DE + 1] * svec + b2c)

    return pl.pallas_call(
        body,
        out_shape=jax.ShapeDtypeStruct((N, DN), jnp.float32),
    )(x, sx, se,
      W1_0, b1_0.reshape(1, -1), W1_1, b1_1.reshape(1, -1),
      W1_2, b1_2.reshape(1, -1),
      W2_0, b2_0.reshape(1, -1), W2_1, b2_1.reshape(1, -1),
      W2_2, b2_2.reshape(1, -1))


def kernel(x, edge_index, edge_attr, u, batch,
           W1_0, b1_0, W1_1, b1_1, W1_2, b1_2,
           W2_0, b2_0, W2_1, b2_1, W2_2, b2_2):
    pad = EPAD - E
    x_flat = jnp.concatenate([x[:, :DH], x[:, DH:]])
    row = jnp.concatenate([edge_index[0], jnp.zeros((pad,), jnp.int32)])
    row4 = jnp.stack([row, row + N]).reshape(NC, NS, NCHUNK, CHUNK)
    col3 = jnp.concatenate(
        [edge_index[1], jnp.full((pad,), N, jnp.int32)]
    ).reshape(NS, NCHUNK, CHUNK)
    ones_blk = jnp.ones((CHUNK, DE), jnp.float32)
    z64 = jnp.zeros((WB, DH), jnp.float32)
    z16 = jnp.zeros((WB, DE), jnp.float32)
    sx, se = _sc_segment_sums(x_flat, row4, col3, edge_attr, ones_blk, z64, z16)
    return _tc_epilogue(x, sx, se,
                        W1_0, b1_0, W1_1, b1_1, W1_2, b1_2,
                        W2_0, b2_0, W2_1, b2_1, W2_2, b2_2)

# --- scband reference (transcript-rebuilt; emitter-appended) ---
"""Pipeline reference for scband-node-model-23854248362703 (READ-ONLY COPY).

The authoritative reference and input builder live on the scoring server;
editing this copy changes nothing except your own understanding.
"""

import jax, jax.numpy as jnp
import numpy as np

N = 10000
E = 320000
DN = 128
DE = 16
H = 128


def _xavier(key, fan_in, fan_out):
    scale = jnp.sqrt(2.0 / (fan_in + fan_out))
    return jax.random.normal(key, (fan_in, fan_out), jnp.float32) * scale


def setup_inputs(seed: int = 0) -> dict:
    key = jax.random.key(seed)
    ks = jax.random.split(key, 12)
    x = jax.random.normal(ks[0], (N, DN), jnp.float32)
    edge_index = jax.random.randint(ks[1], (2, E), 0, N, dtype=jnp.int32)
    edge_attr = jax.random.normal(ks[2], (E, DE), jnp.float32)
    u = jnp.zeros((1, 8), jnp.float32)
    batch = jnp.zeros((N,), jnp.int32)
    # node_mlp_1: Lin(DN+DE, H), Lin(H, H), Lin(H, H)
    W1_0 = _xavier(ks[3], DN + DE, H); b1_0 = jnp.full((H,), 0.01, jnp.float32)
    W1_1 = _xavier(ks[4], H, H);       b1_1 = jnp.full((H,), 0.01, jnp.float32)
    W1_2 = _xavier(ks[5], H, H);       b1_2 = jnp.full((H,), 0.01, jnp.float32)
    # node_mlp_2: Lin(H+DN, H), Lin(H, H), Lin(H, DN)
    W2_0 = _xavier(ks[6], H + DN, H);  b2_0 = jnp.full((H,), 0.01, jnp.float32)
    W2_1 = _xavier(ks[7], H, H);       b2_1 = jnp.full((H,), 0.01, jnp.float32)
    W2_2 = _xavier(ks[8], H, DN);      b2_2 = jnp.full((DN,), 0.01, jnp.float32)
    return {
        "x": x, "edge_index": edge_index, "edge_attr": edge_attr, "u": u, "batch": batch,
        "W1_0": W1_0, "b1_0": b1_0, "W1_1": W1_1, "b1_1": b1_1, "W1_2": W1_2, "b1_2": b1_2,
        "W2_0": W2_0, "b2_0": b2_0, "W2_1": W2_1, "b2_1": b2_1, "W2_2": W2_2, "b2_2": b2_2,
    }


def reference(x, edge_index, edge_attr, u, batch,
              W1_0, b1_0, W1_1, b1_1, W1_2, b1_2,
              W2_0, b2_0, W2_1, b2_1, W2_2, b2_2):
    row = edge_index[0]
    col = edge_index[1]
    # edge-wise MLP input: gather source node feats, concat edge attrs
    out = jnp.concatenate([jnp.take(x, row, axis=0), edge_attr], axis=1)
    # node_mlp_1 (activation=None, norm=None)
    out = out @ W1_0 + b1_0
    out = out @ W1_1 + b1_1
    out = out @ W1_2 + b1_2
    # scatter-add messages to destination nodes
    agg = jax.ops.segment_sum(out, col, num_segments=x.shape[0])
    # node_mlp_2
    h = jnp.concatenate([x, agg], axis=1)
    h = h @ W2_0 + b2_0
    h = h @ W2_1 + b2_1
    h = h @ W2_2 + b2_2
    return h

if __name__ == "__main__":
    import jax
    _d = setup_inputs()
    print(jax.jit(kernel)(*tuple(_d.values())))

</pallas_src>

<mosaic_0001>
#map = affine_map<(d0, d1) -> (0, 0)>
#map1 = affine_map<(d0, d1) -> (0, 0, 0, 0)>
#map2 = affine_map<(d0, d1) -> (0, 0, 0)>
module attributes {stable_mosaic.version = 14 : i64} {
  func.func @k(%arg0: i32, %arg1: i32, %arg2: memref<20000x64xf32, #tpu.memory_space<hbm>>, %arg3: memref<2x16x158x128xi32, #tpu.memory_space<hbm>>, %arg4: memref<16x158x128xi32, #tpu.memory_space<hbm>>, %arg5: memref<320000x16xf32, #tpu.memory_space<hbm>>, %arg6: memref<128x16xf32, #tpu.memory_space<hbm>>, %arg7: memref<320x64xf32, #tpu.memory_space<hbm>>, %arg8: memref<320x16xf32, #tpu.memory_space<hbm>>, %arg9: memref<10240x128xf32, #tpu.memory_space<hbm>>, %arg10: memref<10240x128xf32, #tpu.memory_space<hbm>>, %arg11: memref<158x128xi32, #tpu.memory_space<vmem>>, %arg12: memref<128xi32, #tpu.memory_space<vmem>>, %arg13: memref<128xi32, #tpu.memory_space<vmem>>, %arg14: memref<128x64xf32, #tpu.memory_space<vmem>>, %arg15: memref<128x64xf32, #tpu.memory_space<vmem>>, %arg16: memref<128x16xf32, #tpu.memory_space<vmem>>, %arg17: memref<128x16xf32, #tpu.memory_space<vmem>>, %arg18: memref<128x16xf32, #tpu.memory_space<vmem>>, %arg19: memref<320x64xf32, #tpu.memory_space<vmem>>, %arg20: memref<320x16xf32, #tpu.memory_space<vmem>>, %arg21: memref<10240x64xf32, #tpu.memory_space<vmem_shared>>, %arg22: memref<10240x16xf32, #tpu.memory_space<vmem_shared>>, %arg23: memref<!tpu.dma_semaphore, #tpu.memory_space<semaphore_mem>>, %arg24: memref<!tpu.dma_semaphore, #tpu.memory_space<semaphore_mem>>, %arg25: memref<!tpu.dma_semaphore, #tpu.memory_space<semaphore_mem>>, %arg26: memref<!tpu.dma_semaphore, #tpu.memory_space<semaphore_mem>>, %arg27: memref<!tpu.dma_semaphore, #tpu.memory_space<semaphore_mem>>, %arg28: memref<!tpu.dma_semaphore, #tpu.memory_space<semaphore_mem>>) attributes {dimension_semantics = [#tpu.dimension_semantics<core_parallel>, #tpu.dimension_semantics<subcore_parallel>], iteration_bounds = array<i64: 2, 16>, scalar_prefetch = 0 : i64, scratch_operands = 18 : i64, tpu.core_type = #tpu.core_type<sc_vector_subcore>, window_params = [{transform_indices = #map}, {transform_indices = #map1}, {transform_indices = #map2}, {transform_indices = #map}, {transform_indices = #map}, {transform_indices = #map}, {transform_indices = #map}, {transform_indices = #map}, {transform_indices = #map}]} {
    %mul3A = arith.constant 640 : i32
    %mul3A_0 = arith.muli %arg1, %mul3A : i32
    %eq3A = arith.constant 0 : i32
    %eq3A_1 = arith.cmpi eq, %arg0, %eq3A : i32
    "tpu.region"() ({
      %run_scoped3A_157 = tpu.sem_alloc : memref<!tpu.dma_semaphore, #tpu.memory_space<semaphore_mem>>
      tpu.enqueue_dma source(%arg7 : memref<320x64xf32, #tpu.memory_space<hbm>>) target(%arg19 : memref<320x64xf32, #tpu.memory_space<vmem>>) target_semaphore(%run_scoped3A_157 : memref<!tpu.dma_semaphore, #tpu.memory_space<semaphore_mem>>)
      tpu.wait_dma2 semaphore(%run_scoped3A_157 : memref<!tpu.dma_semaphore, #tpu.memory_space<semaphore_mem>>) src(%arg7 : memref<320x64xf32, #tpu.memory_space<hbm>>) dst(%arg19 : memref<320x64xf32, #tpu.memory_space<vmem>>)
      tpu.yield
    }) : () -> ()
    "tpu.region"() ({
      %run_scoped3A_157 = tpu.sem_alloc : memref<!tpu.dma_semaphore, #tpu.memory_space<semaphore_mem>>
      tpu.enqueue_dma source(%arg8 : memref<320x16xf32, #tpu.memory_space<hbm>>) target(%arg20 : memref<320x16xf32, #tpu.memory_space<vmem>>) target_semaphore(%run_scoped3A_157 : memref<!tpu.dma_semaphore, #tpu.memory_space<semaphore_mem>>)
      tpu.wait_dma2 semaphore(%run_scoped3A_157 : memref<!tpu.dma_semaphore, #tpu.memory_space<semaphore_mem>>) src(%arg8 : memref<320x16xf32, #tpu.memory_space<hbm>>) dst(%arg20 : memref<320x16xf32, #tpu.memory_space<vmem>>)
      tpu.yield
    }) : () -> ()
    %add3A = arith.constant 0 : i32
    %add3A_2 = arith.addi %mul3A_0, %add3A : i32
    "tpu.region"() ({
      %run_scoped3A_157 = tpu.sem_alloc : memref<!tpu.dma_semaphore, #tpu.memory_space<semaphore_mem>>
      %dma_start3A_158 = arith.constant 0 : i32
      %dma_start3A_159 = tpu.memref_slice %arg21[%add3A_2, %dma_start3A_158] : memref<10240x64xf32, #tpu.memory_space<vmem_shared>> -> memref<320x64xf32, #tpu.memory_space<vmem_shared>>
      %dma_start3A_160 = arith.constant 0 : i32
      %dma_start3A_161 = tpu.memref_slice %arg21[%add3A_2, %dma_start3A_160] : memref<10240x64xf32, #tpu.memory_space<vmem_shared>> -> memref<320x64xf32, #tpu.memory_space<vmem_shared>>
      tpu.enqueue_dma source(%arg19 : memref<320x64xf32, #tpu.memory_space<vmem>>) target(%dma_start3A_161 : memref<320x64xf32, #tpu.memory_space<vmem_shared>>) target_semaphore(%run_scoped3A_157 : memref<!tpu.dma_semaphore, #tpu.memory_space<semaphore_mem>>)
      %dma_wait3A_162 = arith.constant 0 : i32
      %dma_wait3A_163 = tpu.memref_slice %arg21[%add3A_2, %dma_wait3A_162] : memref<10240x64xf32, #tpu.memory_space<vmem_shared>> -> memref<320x64xf32, #tpu.memory_space<vmem_shared>>
      %dma_wait3A_164 = arith.constant 0 : i32
      %dma_wait3A_165 = tpu.memref_slice %arg21[%add3A_2, %dma_wait3A_164] : memref<10240x64xf32, #tpu.memory_space<vmem_shared>> -> memref<320x64xf32, #tpu.memory_space<vmem_shared>>
      tpu.wait_dma2 semaphore(%run_scoped3A_157 : memref<!tpu.dma_semaphore, #tpu.memory_space<semaphore_mem>>) src(%arg19 : memref<320x64xf32, #tpu.memory_space<vmem>>) dst(%dma_wait3A_165 : memref<320x64xf32, #tpu.memory_space<vmem_shared>>)
      tpu.yield
    }) : () -> ()
    %add3A_3 = arith.constant 0 : i32
    %add3A_4 = arith.addi %mul3A_0, %add3A_3 : i32
    "tpu.region"() ({
      %run_scoped3A_157 = tpu.sem_alloc : memref<!tpu.dma_semaphore, #tpu.memory_space<semaphore_mem>>
      %dma_start3A_158 = arith.constant 0 : i32
      %dma_start3A_159 = tpu.memref_slice %arg22[%add3A_4, %dma_start3A_158] : memref<10240x16xf32, #tpu.memory_space<vmem_shared>> -> memref<320x16xf32, #tpu.memory_space<vmem_shared>>
      %dma_start3A_160 = arith.constant 0 : i32
      %dma_start3A_161 = tpu.memref_slice %arg22[%add3A_4, %dma_start3A_160] : memref<10240x16xf32, #tpu.memory_space<vmem_shared>> -> memref<320x16xf32, #tpu.memory_space<vmem_shared>>
      tpu.enqueue_dma source(%arg20 : memref<320x16xf32, #tpu.memory_space<vmem>>) target(%dma_start3A_161 : memref<320x16xf32, #tpu.memory_space<vmem_shared>>) target_semaphore(%run_scoped3A_157 : memref<!tpu.dma_semaphore, #tpu.memory_space<semaphore_mem>>)
      %dma_wait3A_162 = arith.constant 0 : i32
      %dma_wait3A_163 = tpu.memref_slice %arg22[%add3A_4, %dma_wait3A_162] : memref<10240x16xf32, #tpu.memory_space<vmem_shared>> -> memref<320x16xf32, #tpu.memory_space<vmem_shared>>
      %dma_wait3A_164 = arith.constant 0 : i32
      %dma_wait3A_165 = tpu.memref_slice %arg22[%add3A_4, %dma_wait3A_164] : memref<10240x16xf32, #tpu.memory_space<vmem_shared>> -> memref<320x16xf32, #tpu.memory_space<vmem_shared>>
      tpu.wait_dma2 semaphore(%run_scoped3A_157 : memref<!tpu.dma_semaphore, #tpu.memory_space<semaphore_mem>>) src(%arg20 : memref<320x16xf32, #tpu.memory_space<vmem>>) dst(%dma_wait3A_165 : memref<320x16xf32, #tpu.memory_space<vmem_shared>>)
      tpu.yield
    }) : () -> ()
    %add3A_5 = arith.constant 320 : i32
    %add3A_6 = arith.addi %mul3A_0, %add3A_5 : i32
    "tpu.region"() ({
      %run_scoped3A_157 = tpu.sem_alloc : memref<!tpu.dma_semaphore, #tpu.memory_space<semaphore_mem>>
      %dma_start3A_158 = arith.constant 0 : i32
      %dma_start3A_159 = tpu.memref_slice %arg21[%add3A_6, %dma_start3A_158] : memref<10240x64xf32, #tpu.memory_space<vmem_shared>> -> memref<320x64xf32, #tpu.memory_space<vmem_shared>>
      %dma_start3A_160 = arith.constant 0 : i32
      %dma_start3A_161 = tpu.memref_slice %arg21[%add3A_6, %dma_start3A_160] : memref<10240x64xf32, #tpu.memory_space<vmem_shared>> -> memref<320x64xf32, #tpu.memory_space<vmem_shared>>
      tpu.enqueue_dma source(%arg19 : memref<320x64xf32, #tpu.memory_space<vmem>>) target(%dma_start3A_161 : memref<320x64xf32, #tpu.memory_space<vmem_shared>>) target_semaphore(%run_scoped3A_157 : memref<!tpu.dma_semaphore, #tpu.memory_space<semaphore_mem>>)
      %dma_wait3A_162 = arith.constant 0 : i32
      %dma_wait3A_163 = tpu.memref_slice %arg21[%add3A_6, %dma_wait3A_162] : memref<10240x64xf32, #tpu.memory_space<vmem_shared>> -> memref<320x64xf32, #tpu.memory_space<vmem_shared>>
      %dma_wait3A_164 = arith.constant 0 : i32
      %dma_wait3A_165 = tpu.memref_slice %arg21[%add3A_6, %dma_wait3A_164] : memref<10240x64xf32, #tpu.memory_space<vmem_shared>> -> memref<320x64xf32, #tpu.memory_space<vmem_shared>>
      tpu.wait_dma2 semaphore(%run_scoped3A_157 : memref<!tpu.dma_semaphore, #tpu.memory_space<semaphore_mem>>) src(%arg19 : memref<320x64xf32, #tpu.memory_space<vmem>>) dst(%dma_wait3A_165 : memref<320x64xf32, #tpu.memory_space<vmem_shared>>)
      tpu.yield
    }) : () -> ()
    %add3A_7 = arith.constant 320 : i32
    %add3A_8 = arith.addi %mul3A_0, %add3A_7 : i32
    "tpu.region"() ({
      %run_scoped3A_157 = tpu.sem_alloc : memref<!tpu.dma_semaphore, #tpu.memory_space<semaphore_mem>>
      %dma_start3A_158 = arith.constant 0 : i32
      %dma_start3A_159 = tpu.memref_slice %arg22[%add3A_8, %dma_start3A_158] : memref<10240x16xf32, #tpu.memory_space<vmem_shared>> -> memref<320x16xf32, #tpu.memory_space<vmem_shared>>
      %dma_start3A_160 = arith.constant 0 : i32
      %dma_start3A_161 = tpu.memref_slice %arg22[%add3A_8, %dma_start3A_160] : memref<10240x16xf32, #tpu.memory_space<vmem_shared>> -> memref<320x16xf32, #tpu.memory_space<vmem_shared>>
      tpu.enqueue_dma source(%arg20 : memref<320x16xf32, #tpu.memory_space<vmem>>) target(%dma_start3A_161 : memref<320x16xf32, #tpu.memory_space<vmem_shared>>) target_semaphore(%run_scoped3A_157 : memref<!tpu.dma_semaphore, #tpu.memory_space<semaphore_mem>>)
      %dma_wait3A_162 = arith.constant 0 : i32
      %dma_wait3A_163 = tpu.memref_slice %arg22[%add3A_8, %dma_wait3A_162] : memref<10240x16xf32, #tpu.memory_space<vmem_shared>> -> memref<320x16xf32, #tpu.memory_space<vmem_shared>>
      %dma_wait3A_164 = arith.constant 0 : i32
      %dma_wait3A_165 = tpu.memref_slice %arg22[%add3A_8, %dma_wait3A_164] : memref<10240x16xf32, #tpu.memory_space<vmem_shared>> -> memref<320x16xf32, #tpu.memory_space<vmem_shared>>
      tpu.wait_dma2 semaphore(%run_scoped3A_157 : memref<!tpu.dma_semaphore, #tpu.memory_space<semaphore_mem>>) src(%arg20 : memref<320x16xf32, #tpu.memory_space<vmem>>) dst(%dma_wait3A_165 : memref<320x16xf32, #tpu.memory_space<vmem_shared>>)
      tpu.yield
    }) : () -> ()
    "tpu.region"() ({
      %run_scoped3A_157 = tpu.sem_alloc : memref<!tpu.dma_semaphore, #tpu.memory_space<semaphore_mem>>
      %dma_start3A_158 = arith.constant 0 : i32
      %dma_start3A_159 = arith.constant 0 : i32
      %dma_start3A_160 = tpu.memref_slice %arg4[%arg1, %dma_start3A_158, %dma_start3A_159] : memref<16x158x128xi32, #tpu.memory_space<hbm>> -> memref<1x158x128xi32, #tpu.memory_space<hbm>>
      %dma_start3A_161 = tpu.memref_squeeze %dma_start3A_160 : memref<1x158x128xi32, #tpu.memory_space<hbm>> -> memref<158x128xi32, #tpu.memory_space<hbm>>
      %dma_start3A_162 = arith.constant 0 : i32
      %dma_start3A_163 = arith.constant 0 : i32
      %dma_start3A_164 = tpu.memref_slice %arg4[%arg1, %dma_start3A_162, %dma_start3A_163] : memref<16x158x128xi32, #tpu.memory_space<hbm>> -> memref<1x158x128xi32, #tpu.memory_space<hbm>>
      %dma_start3A_165 = tpu.memref_squeeze %dma_start3A_164 : memref<1x158x128xi32, #tpu.memory_space<hbm>> -> memref<158x128xi32, #tpu.memory_space<hbm>>
      tpu.enqueue_dma source(%dma_start3A_165 : memref<158x128xi32, #tpu.memory_space<hbm>>) target(%arg11 : memref<158x128xi32, #tpu.memory_space<vmem>>) target_semaphore(%run_scoped3A_157 : memref<!tpu.dma_semaphore, #tpu.memory_space<semaphore_mem>>)
      %dma_wait3A_166 = arith.constant 0 : i32
      %dma_wait3A_167 = arith.constant 0 : i32
      %dma_wait3A_168 = tpu.memref_slice %arg4[%arg1, %dma_wait3A_166, %dma_wait3A_167] : memref<16x158x128xi32, #tpu.memory_space<hbm>> -> memref<1x158x128xi32, #tpu.memory_space<hbm>>
      %dma_wait3A_169 = tpu.memref_squeeze %dma_wait3A_168 : memref<1x158x128xi32, #tpu.memory_space<hbm>> -> memref<158x128xi32, #tpu.memory_space<hbm>>
      %dma_wait3A_170 = arith.constant 0 : i32
      %dma_wait3A_171 = arith.constant 0 : i32
      %dma_wait3A_172 = tpu.memref_slice %arg4[%arg1, %dma_wait3A_170, %dma_wait3A_171] : memref<16x158x128xi32, #tpu.memory_space<hbm>> -> memref<1x158x128xi32, #tpu.memory_space<hbm>>
      %dma_wait3A_173 = tpu.memref_squeeze %dma_wait3A_172 : memref<1x158x128xi32, #tpu.memory_space<hbm>> -> memref<158x128xi32, #tpu.memory_space<hbm>>
      tpu.wait_dma2 semaphore(%run_scoped3A_157 : memref<!tpu.dma_semaphore, #tpu.memory_space<semaphore_mem>>) src(%dma_wait3A_173 : memref<158x128xi32, #tpu.memory_space<hbm>>) dst(%arg11 : memref<158x128xi32, #tpu.memory_space<vmem>>)
      tpu.yield
    }) : () -> ()
    "tpu.region"() ({
      %run_scoped3A_157 = tpu.sem_alloc : memref<!tpu.dma_semaphore, #tpu.memory_space<semaphore_mem>>
      tpu.enqueue_dma source(%arg6 : memref<128x16xf32, #tpu.memory_space<hbm>>) target(%arg18 : memref<128x16xf32, #tpu.memory_space<vmem>>) target_semaphore(%run_scoped3A_157 : memref<!tpu.dma_semaphore, #tpu.memory_space<semaphore_mem>>)
      tpu.wait_dma2 semaphore(%run_scoped3A_157 : memref<!tpu.dma_semaphore, #tpu.memory_space<semaphore_mem>>) src(%arg6 : memref<128x16xf32, #tpu.memory_space<hbm>>) dst(%arg18 : memref<128x16xf32, #tpu.memory_space<vmem>>)
      tpu.yield
    }) : () -> ()
    %barrier3A = arith.constant 0 : index
    tpu.barrier barrier_id(%barrier3A)
    %dma_start3A = arith.constant 0 : i32
    %dma_start3A_9 = arith.constant 0 : i32
    %dma_start3A_10 = tpu.memref_slice %arg3[%arg0, %arg1, %dma_start3A, %dma_start3A_9] : memref<2x16x158x128xi32, #tpu.memory_space<hbm>> -> memref<1x1x1x128xi32, #tpu.memory_space<hbm>>
    %dma_start3A_11 = tpu.memref_squeeze %dma_start3A_10 : memref<1x1x1x128xi32, #tpu.memory_space<hbm>> -> memref<128xi32, #tpu.memory_space<hbm>>
    %dma_start3A_12 = arith.constant 0 : i32
    %dma_start3A_13 = tpu.memref_slice %arg3[%arg0, %arg1, %dma_start3A, %dma_start3A_12] : memref<2x16x158x128xi32, #tpu.memory_space<hbm>> -> memref<1x1x1x128xi32, #tpu.memory_space<hbm>>
    %dma_start3A_14 = tpu.memref_squeeze %dma_start3A_13 : memref<1x1x1x128xi32, #tpu.memory_space<hbm>> -> memref<128xi32, #tpu.memory_space<hbm>>
    tpu.enqueue_dma source(%dma_start3A_14 : memref<128xi32, #tpu.memory_space<hbm>>) target(%arg12 : memref<128xi32, #tpu.memory_space<vmem>>) target_semaphore(%arg23 : memref<!tpu.dma_semaphore, #tpu.memory_space<semaphore_mem>>)
    %dma_start3A_15 = arith.constant 1 : i32
    %dma_start3A_16 = arith.constant 0 : i32
    %dma_start3A_17 = tpu.memref_slice %arg3[%arg0, %arg1, %dma_start3A_15, %dma_start3A_16] : memref<2x16x158x128xi32, #tpu.memory_space<hbm>> -> memref<1x1x1x128xi32, #tpu.memory_space<hbm>>
    %dma_start3A_18 = tpu.memref_squeeze %dma_start3A_17 : memref<1x1x1x128xi32, #tpu.memory_space<hbm>> -> memref<128xi32, #tpu.memory_space<hbm>>
    %dma_start3A_19 = arith.constant 0 : i32
    %dma_start3A_20 = tpu.memref_slice %arg3[%arg0, %arg1, %dma_start3A_15, %dma_start3A_19] : memref<2x16x158x128xi32, #tpu.memory_space<hbm>> -> memref<1x1x1x128xi32, #tpu.memory_space<hbm>>
    %dma_start3A_21 = tpu.memref_squeeze %dma_start3A_20 : memref<1x1x1x128xi32, #tpu.memory_space<hbm>> -> memref<128xi32, #tpu.memory_space<hbm>>
    tpu.enqueue_dma source(%dma_start3A_21 : memref<128xi32, #tpu.memory_space<hbm>>) target(%arg13 : memref<128xi32, #tpu.memory_space<vmem>>) target_semaphore(%arg24 : memref<!tpu.dma_semaphore, #tpu.memory_space<semaphore_mem>>)
    %dma_wait3A = arith.constant 0 : i32
    %dma_wait3A_22 = arith.constant 0 : i32
    %dma_wait3A_23 = tpu.memref_slice %arg3[%arg0, %arg1, %dma_wait3A, %dma_wait3A_22] : memref<2x16x158x128xi32, #tpu.memory_space<hbm>> -> memref<1x1x1x128xi32, #tpu.memory_space<hbm>>
    %dma_wait3A_24 = tpu.memref_squeeze %dma_wait3A_23 : memref<1x1x1x128xi32, #tpu.memory_space<hbm>> -> memref<128xi32, #tpu.memory_space<hbm>>
    %dma_wait3A_25 = arith.constant 0 : i32
    %dma_wait3A_26 = tpu.memref_slice %arg3[%arg0, %arg1, %dma_wait3A, %dma_wait3A_25] : memref<2x16x158x128xi32, #tpu.memory_space<hbm>> -> memref<1x1x1x128xi32, #tpu.memory_space<hbm>>
    %dma_wait3A_27 = tpu.memref_squeeze %dma_wait3A_26 : memref<1x1x1x128xi32, #tpu.memory_space<hbm>> -> memref<128xi32, #tpu.memory_space<hbm>>
    tpu.wait_dma2 semaphore(%arg23 : memref<!tpu.dma_semaphore, #tpu.memory_space<semaphore_mem>>) src(%dma_wait3A_27 : memref<128xi32, #tpu.memory_space<hbm>>) dst(%arg12 : memref<128xi32, #tpu.memory_space<vmem>>)
    %dma_start3A_28 = arith.constant 0 : i32
    %dma_start3A_29 = arith.constant 0 : i32
    %dma_start3A_30 = tpu.memref_slice %arg2[%dma_start3A_28, %dma_start3A_29] : memref<20000x64xf32, #tpu.memory_space<hbm>> -> memref<20000x64xf32, #tpu.memory_space<hbm>>
    tpu.enqueue_indirect_dma source(%dma_start3A_30 : memref<20000x64xf32, #tpu.memory_space<hbm>>) target(%arg14 : memref<128x64xf32, #tpu.memory_space<vmem>>) offsets(%arg12 : memref<128xi32, #tpu.memory_space<vmem>>) semaphore(%arg25 : memref<!tpu.dma_semaphore, #tpu.memory_space<semaphore_mem>>)
    %mul3A_31 = arith.constant 20224 : i32
    %mul3A_32 = arith.muli %arg1, %mul3A_31 : i32
    %add3A_33 = arith.constant 0 : i32
    %add3A_34 = arith.addi %mul3A_32, %add3A_33 : i32
    %lt3A = arith.constant 320000 : i32
    %lt3A_35 = arith.cmpi slt, %add3A_34, %lt3A : i32
    %and3A = arith.andi %eq3A_1, %lt3A_35 : i1
    %convert_element_type3A = arith.extui %and3A : i1 to i32
    %cond3A = arith.constant 0 : i32
    %cond3A_36 = arith.cmpi ne, %convert_element_type3A, %cond3A : i32
    scf.if %cond3A_36 {
      %mul3A_157 = arith.constant 20224 : i32
      %mul3A_158 = arith.muli %arg1, %mul3A_157 : i32
      %add3A_159 = arith.constant 0 : i32
      %add3A_160 = arith.addi %mul3A_158, %add3A_159 : i32
      %dma_start3A_161 = arith.constant 0 : i32
      %dma_start3A_162 = tpu.memref_slice %arg5[%add3A_160, %dma_start3A_161] : memref<320000x16xf32, #tpu.memory_space<hbm>> -> memref<128x16xf32, #tpu.memory_space<hbm>>
      %dma_start3A_163 = arith.constant 0 : i32
      %dma_start3A_164 = tpu.memref_slice %arg5[%add3A_160, %dma_start3A_163] : memref<320000x16xf32, #tpu.memory_space<hbm>> -> memref<128x16xf32, #tpu.memory_space<hbm>>
      tpu.enqueue_dma source(%dma_start3A_164 : memref<128x16xf32, #tpu.memory_space<hbm>>) target(%arg16 : memref<128x16xf32, #tpu.memory_space<vmem>>) target_semaphore(%arg27 : memref<!tpu.dma_semaphore, #tpu.memory_space<semaphore_mem>>)
    } else {
    }
    %dma_wait3A_37 = arith.constant 0 : i32
    %dma_wait3A_38 = arith.constant 0 : i32
    %dma_wait3A_39 = tpu.memref_slice %arg3[%arg0, %arg1, %dma_wait3A_37, %dma_wait3A_38] : memref<2x16x158x128xi32, #tpu.memory_space<hbm>> -> memref<1x1x1x128xi32, #tpu.memory_space<hbm>>
    %dma_wait3A_40 = tpu.memref_squeeze %dma_wait3A_39 : memref<1x1x1x128xi32, #tpu.memory_space<hbm>> -> memref<128xi32, #tpu.memory_space<hbm>>
    %dma_wait3A_41 = arith.constant 0 : i32
    %dma_wait3A_42 = tpu.memref_slice %arg3[%arg0, %arg1, %dma_wait3A_37, %dma_wait3A_41] : memref<2x16x158x128xi32, #tpu.memory_space<hbm>> -> memref<1x1x1x128xi32, #tpu.memory_space<hbm>>
    %dma_wait3A_43 = tpu.memref_squeeze %dma_wait3A_42 : memref<1x1x1x128xi32, #tpu.memory_space<hbm>> -> memref<128xi32, #tpu.memory_space<hbm>>
    tpu.wait_dma2 semaphore(%arg24 : memref<!tpu.dma_semaphore, #tpu.memory_space<semaphore_mem>>) src(%dma_wait3A_43 : memref<128xi32, #tpu.memory_space<hbm>>) dst(%arg13 : memref<128xi32, #tpu.memory_space<vmem>>)
    %dma_start3A_44 = arith.constant 0 : i32
    %dma_start3A_45 = arith.constant 0 : i32
    %dma_start3A_46 = tpu.memref_slice %arg2[%dma_start3A_44, %dma_start3A_45] : memref<20000x64xf32, #tpu.memory_space<hbm>> -> memref<20000x64xf32, #tpu.memory_space<hbm>>
    tpu.enqueue_indirect_dma source(%dma_start3A_46 : memref<20000x64xf32, #tpu.memory_space<hbm>>) target(%arg15 : memref<128x64xf32, #tpu.memory_space<vmem>>) offsets(%arg13 : memref<128xi32, #tpu.memory_space<vmem>>) semaphore(%arg26 : memref<!tpu.dma_semaphore, #tpu.memory_space<semaphore_mem>>)
    %mul3A_47 = arith.constant 20224 : i32
    %mul3A_48 = arith.muli %arg1, %mul3A_47 : i32
    %add3A_49 = arith.constant 128 : i32
    %add3A_50 = arith.addi %mul3A_48, %add3A_49 : i32
    %lt3A_51 = arith.constant 320000 : i32
    %lt3A_52 = arith.cmpi slt, %add3A_50, %lt3A_51 : i32
    %and3A_53 = arith.andi %eq3A_1, %lt3A_52 : i1
    %convert_element_type3A_54 = arith.extui %and3A_53 : i1 to i32
    %cond3A_55 = arith.constant 0 : i32
    %cond3A_56 = arith.cmpi ne, %convert_element_type3A_54, %cond3A_55 : i32
    scf.if %cond3A_56 {
      %mul3A_157 = arith.constant 20224 : i32
      %mul3A_158 = arith.muli %arg1, %mul3A_157 : i32
      %add3A_159 = arith.constant 128 : i32
      %add3A_160 = arith.addi %mul3A_158, %add3A_159 : i32
      %dma_start3A_161 = arith.constant 0 : i32
      %dma_start3A_162 = tpu.memref_slice %arg5[%add3A_160, %dma_start3A_161] : memref<320000x16xf32, #tpu.memory_space<hbm>> -> memref<128x16xf32, #tpu.memory_space<hbm>>
      %dma_start3A_163 = arith.constant 0 : i32
      %dma_start3A_164 = tpu.memref_slice %arg5[%add3A_160, %dma_start3A_163] : memref<320000x16xf32, #tpu.memory_space<hbm>> -> memref<128x16xf32, #tpu.memory_space<hbm>>
      tpu.enqueue_dma source(%dma_start3A_164 : memref<128x16xf32, #tpu.memory_space<hbm>>) target(%arg17 : memref<128x16xf32, #tpu.memory_space<vmem>>) target_semaphore(%arg28 : memref<!tpu.dma_semaphore, #tpu.memory_space<semaphore_mem>>)
    } else {
    }
    %scan3A = arith.constant 0 : i32
    %scan3A_57 = arith.constant 0 : i32
    %scan3A_58 = arith.constant 78 : i32
    %scan3A_59 = arith.addi %scan3A_57, %scan3A_58 : i32
    %scan3A_60 = arith.constant 1 : i32
    scf.for %scan3A_157 = %scan3A_57 to %scan3A_59 step %scan3A_60  : i32 {
      %mul3A_158 = arith.constant 2 : i32
      %mul3A_159 = arith.muli %mul3A_158, %scan3A_157 : i32
      %add3A_160 = arith.constant 2 : i32
      %add3A_161 = arith.addi %mul3A_159, %add3A_160 : i32
      %dma_wait3A_162 = arith.constant 0 : i32
      %dma_wait3A_163 = arith.constant 0 : i32
      %dma_wait3A_164 = tpu.memref_slice %arg2[%dma_wait3A_162, %dma_wait3A_163] : memref<20000x64xf32, #tpu.memory_space<hbm>> -> memref<128x64xf32, #tpu.memory_space<hbm>>
      %dma_wait3A_165 = arith.constant 0 : i32
      %dma_wait3A_166 = arith.constant 0 : i32
      %dma_wait3A_167 = tpu.memref_slice %arg2[%dma_wait3A_165, %dma_wait3A_166] : memref<20000x64xf32, #tpu.memory_space<hbm>> -> memref<128x64xf32, #tpu.memory_space<hbm>>
      tpu.wait_dma2 semaphore(%arg25 : memref<!tpu.dma_semaphore, #tpu.memory_space<semaphore_mem>>) src(%dma_wait3A_167 : memref<128x64xf32, #tpu.memory_space<hbm>>) dst(%arg14 : memref<128x64xf32, #tpu.memory_space<vmem>>)
      %dma_start3A_168 = arith.constant 0 : i32
      %dma_start3A_169 = tpu.memref_slice %arg3[%arg0, %arg1, %add3A_161, %dma_start3A_168] : memref<2x16x158x128xi32, #tpu.memory_space<hbm>> -> memref<1x1x1x128xi32, #tpu.memory_space<hbm>>
      %dma_start3A_170 = tpu.memref_squeeze %dma_start3A_169 : memref<1x1x1x128xi32, #tpu.memory_space<hbm>> -> memref<128xi32, #tpu.memory_space<hbm>>
      %dma_start3A_171 = arith.constant 0 : i32
      %dma_start3A_172 = tpu.memref_slice %arg3[%arg0, %arg1, %add3A_161, %dma_start3A_171] : memref<2x16x158x128xi32, #tpu.memory_space<hbm>> -> memref<1x1x1x128xi32, #tpu.memory_space<hbm>>
      %dma_start3A_173 = tpu.memref_squeeze %dma_start3A_172 : memref<1x1x1x128xi32, #tpu.memory_space<hbm>> -> memref<128xi32, #tpu.memory_space<hbm>>
      tpu.enqueue_dma source(%dma_start3A_173 : memref<128xi32, #tpu.memory_space<hbm>>) target(%arg12 : memref<128xi32, #tpu.memory_space<vmem>>) target_semaphore(%arg23 : memref<!tpu.dma_semaphore, #tpu.memory_space<semaphore_mem>>)
      "tpu.region"() ({
        %run_scoped3A_268 = tpu.sem_alloc : memref<!tpu.dma_semaphore, #tpu.memory_space<semaphore_mem>>
        %dma_start3A_269 = arith.constant 0 : i32
        %dma_start3A_270 = tpu.memref_slice %arg11[%mul3A_159, %dma_start3A_269] : memref<158x128xi32, #tpu.memory_space<vmem>> -> memref<1x128xi32, #tpu.memory_space<vmem>>
        %dma_start3A_271 = tpu.memref_squeeze %dma_start3A_270 : memref<1x128xi32, #tpu.memory_space<vmem>> -> memref<128xi32, #tpu.memory_space<vmem>>
        %dma_start3A_272 = arith.constant 0 : i32
        %dma_start3A_273 = arith.constant 0 : i32
        %dma_start3A_274 = tpu.memref_slice %arg21[%dma_start3A_272, %dma_start3A_273] : memref<10240x64xf32, #tpu.memory_space<vmem_shared>> -> memref<10240x64xf32, #tpu.memory_space<vmem_shared>>
        tpu.enqueue_indirect_dma source(%arg14 : memref<128x64xf32, #tpu.memory_space<vmem>>) target(%dma_start3A_274 : memref<10240x64xf32, #tpu.memory_space<vmem_shared>>) offsets(%dma_start3A_271 : memref<128xi32, #tpu.memory_space<vmem>>) semaphore(%run_scoped3A_268 : memref<!tpu.dma_semaphore, #tpu.memory_space<semaphore_mem>>) {add = true}
        %dma_wait3A_275 = arith.constant 0 : i32
        %dma_wait3A_276 = tpu.memref_slice %arg11[%mul3A_159, %dma_wait3A_275] : memref<158x128xi32, #tpu.memory_space<vmem>> -> memref<1x128xi32, #tpu.memory_space<vmem>>
        %dma_wait3A_277 = tpu.memref_squeeze %dma_wait3A_276 : memref<1x128xi32, #tpu.memory_space<vmem>> -> memref<128xi32, #tpu.memory_space<vmem>>
        %dma_wait3A_278 = arith.constant 0 : i32
        %dma_wait3A_279 = arith.constant 0 : i32
        %dma_wait3A_280 = tpu.memref_slice %arg21[%dma_wait3A_278, %dma_wait3A_279] : memref<10240x64xf32, #tpu.memory_space<vmem_shared>> -> memref<10240x64xf32, #tpu.memory_space<vmem_shared>>
        tpu.wait_indirect_dma semaphore(%run_scoped3A_268 : memref<!tpu.dma_semaphore, #tpu.memory_space<semaphore_mem>>) src(%arg14 : memref<128x64xf32, #tpu.memory_space<vmem>>) dst(%dma_wait3A_280 : memref<10240x64xf32, #tpu.memory_space<vmem_shared>>)
        tpu.yield
      }) : () -> ()
      %mul3A_174 = arith.constant 20224 : i32
      %mul3A_175 = arith.muli %arg1, %mul3A_174 : i32
      %mul3A_176 = arith.constant 128 : i32
      %mul3A_177 = arith.muli %mul3A_159, %mul3A_176 : i32
      %add3A_178 = arith.addi %mul3A_175, %mul3A_177 : i32
      %lt3A_179 = arith.constant 320000 : i32
      %lt3A_180 = arith.cmpi slt, %add3A_178, %lt3A_179 : i32
      %and3A_181 = arith.andi %eq3A_1, %lt3A_180 : i1
      %convert_element_type3A_182 = arith.extui %and3A_181 : i1 to i32
      %cond3A_183 = arith.constant 0 : i32
      %cond3A_184 = arith.cmpi ne, %convert_element_type3A_182, %cond3A_183 : i32
      scf.if %cond3A_184 {
        %dma_wait3A_268 = arith.constant 0 : i32
        %dma_wait3A_269 = arith.constant 0 : i32
        %dma_wait3A_270 = tpu.memref_slice %arg5[%dma_wait3A_268, %dma_wait3A_269] : memref<320000x16xf32, #tpu.memory_space<hbm>> -> memref<128x16xf32, #tpu.memory_space<hbm>>
        %dma_wait3A_271 = arith.constant 0 : i32
        %dma_wait3A_272 = arith.constant 0 : i32
        %dma_wait3A_273 = tpu.memref_slice %arg5[%dma_wait3A_271, %dma_wait3A_272] : memref<320000x16xf32, #tpu.memory_space<hbm>> -> memref<128x16xf32, #tpu.memory_space<hbm>>
        tpu.wait_dma2 semaphore(%arg27 : memref<!tpu.dma_semaphore, #tpu.memory_space<semaphore_mem>>) src(%dma_wait3A_273 : memref<128x16xf32, #tpu.memory_space<hbm>>) dst(%arg16 : memref<128x16xf32, #tpu.memory_space<vmem>>)
        "tpu.region"() ({
          %run_scoped3A_274 = tpu.sem_alloc : memref<!tpu.dma_semaphore, #tpu.memory_space<semaphore_mem>>
          %dma_start3A_275 = arith.constant 0 : i32
          %dma_start3A_276 = tpu.memref_slice %arg11[%mul3A_159, %dma_start3A_275] : memref<158x128xi32, #tpu.memory_space<vmem>> -> memref<1x128xi32, #tpu.memory_space<vmem>>
          %dma_start3A_277 = tpu.memref_squeeze %dma_start3A_276 : memref<1x128xi32, #tpu.memory_space<vmem>> -> memref<128xi32, #tpu.memory_space<vmem>>
          %dma_start3A_278 = arith.constant 0 : i32
          %dma_start3A_279 = arith.constant 0 : i32
          %dma_start3A_280 = tpu.memref_slice %arg22[%dma_start3A_278, %dma_start3A_279] : memref<10240x16xf32, #tpu.memory_space<vmem_shared>> -> memref<10240x16xf32, #tpu.memory_space<vmem_shared>>
          tpu.enqueue_indirect_dma source(%arg16 : memref<128x16xf32, #tpu.memory_space<vmem>>) target(%dma_start3A_280 : memref<10240x16xf32, #tpu.memory_space<vmem_shared>>) offsets(%dma_start3A_277 : memref<128xi32, #tpu.memory_space<vmem>>) semaphore(%run_scoped3A_274 : memref<!tpu.dma_semaphore, #tpu.memory_space<semaphore_mem>>) {add = true}
          %dma_wait3A_281 = arith.constant 0 : i32
          %dma_wait3A_282 = tpu.memref_slice %arg11[%mul3A_159, %dma_wait3A_281] : memref<158x128xi32, #tpu.memory_space<vmem>> -> memref<1x128xi32, #tpu.memory_space<vmem>>
          %dma_wait3A_283 = tpu.memref_squeeze %dma_wait3A_282 : memref<1x128xi32, #tpu.memory_space<vmem>> -> memref<128xi32, #tpu.memory_space<vmem>>
          %dma_wait3A_284 = arith.constant 0 : i32
          %dma_wait3A_285 = arith.constant 0 : i32
          %dma_wait3A_286 = tpu.memref_slice %arg22[%dma_wait3A_284, %dma_wait3A_285] : memref<10240x16xf32, #tpu.memory_space<vmem_shared>> -> memref<10240x16xf32, #tpu.memory_space<vmem_shared>>
          tpu.wait_indirect_dma semaphore(%run_scoped3A_274 : memref<!tpu.dma_semaphore, #tpu.memory_space<semaphore_mem>>) src(%arg16 : memref<128x16xf32, #tpu.memory_space<vmem>>) dst(%dma_wait3A_286 : memref<10240x16xf32, #tpu.memory_space<vmem_shared>>)
          tpu.yield
        }) : () -> ()
      } else {
      }
      %not3A_185 = arith.constant true
      %not3A_186 = arith.xori %eq3A_1, %not3A_185 : i1
      %convert_element_type3A_187 = arith.extui %not3A_186 : i1 to i32
      %cond3A_188 = arith.constant 0 : i32
      %cond3A_189 = arith.cmpi ne, %convert_element_type3A_187, %cond3A_188 : i32
      scf.if %cond3A_189 {
        "tpu.region"() ({
          %run_scoped3A_268 = tpu.sem_alloc : memref<!tpu.dma_semaphore, #tpu.memory_space<semaphore_mem>>
          %dma_start3A_269 = arith.constant 0 : i32
          %dma_start3A_270 = tpu.memref_slice %arg11[%mul3A_159, %dma_start3A_269] : memref<158x128xi32, #tpu.memory_space<vmem>> -> memref<1x128xi32, #tpu.memory_space<vmem>>
          %dma_start3A_271 = tpu.memref_squeeze %dma_start3A_270 : memref<1x128xi32, #tpu.memory_space<vmem>> -> memref<128xi32, #tpu.memory_space<vmem>>
          %dma_start3A_272 = arith.constant 0 : i32
          %dma_start3A_273 = arith.constant 0 : i32
          %dma_start3A_274 = tpu.memref_slice %arg22[%dma_start3A_272, %dma_start3A_273] : memref<10240x16xf32, #tpu.memory_space<vmem_shared>> -> memref<10240x16xf32, #tpu.memory_space<vmem_shared>>
          tpu.enqueue_indirect_dma source(%arg18 : memref<128x16xf32, #tpu.memory_space<vmem>>) target(%dma_start3A_274 : memref<10240x16xf32, #tpu.memory_space<vmem_shared>>) offsets(%dma_start3A_271 : memref<128xi32, #tpu.memory_space<vmem>>) semaphore(%run_scoped3A_268 : memref<!tpu.dma_semaphore, #tpu.memory_space<semaphore_mem>>) {add = true}
          %dma_wait3A_275 = arith.constant 0 : i32
          %dma_wait3A_276 = tpu.memref_slice %arg11[%mul3A_159, %dma_wait3A_275] : memref<158x128xi32, #tpu.memory_space<vmem>> -> memref<1x128xi32, #tpu.memory_space<vmem>>
          %dma_wait3A_277 = tpu.memref_squeeze %dma_wait3A_276 : memref<1x128xi32, #tpu.memory_space<vmem>> -> memref<128xi32, #tpu.memory_space<vmem>>
          %dma_wait3A_278 = arith.constant 0 : i32
          %dma_wait3A_279 = arith.constant 0 : i32
          %dma_wait3A_280 = tpu.memref_slice %arg22[%dma_wait3A_278, %dma_wait3A_279] : memref<10240x16xf32, #tpu.memory_space<vmem_shared>> -> memref<10240x16xf32, #tpu.memory_space<vmem_shared>>
          tpu.wait_indirect_dma semaphore(%run_scoped3A_268 : memref<!tpu.dma_semaphore, #tpu.memory_space<semaphore_mem>>) src(%arg18 : memref<128x16xf32, #tpu.memory_space<vmem>>) dst(%dma_wait3A_280 : memref<10240x16xf32, #tpu.memory_space<vmem_shared>>)
          tpu.yield
        }) : () -> ()
      } else {
      }
      %add3A_190 = arith.constant 2 : i32
      %add3A_191 = arith.addi %mul3A_159, %add3A_190 : i32
      %dma_wait3A_192 = arith.constant 0 : i32
      %dma_wait3A_193 = arith.constant 0 : i32
      %dma_wait3A_194 = tpu.memref_slice %arg3[%arg0, %arg1, %dma_wait3A_192, %dma_wait3A_193] : memref<2x16x158x128xi32, #tpu.memory_space<hbm>> -> memref<1x1x1x128xi32, #tpu.memory_space<hbm>>
      %dma_wait3A_195 = tpu.memref_squeeze %dma_wait3A_194 : memref<1x1x1x128xi32, #tpu.memory_space<hbm>> -> memref<128xi32, #tpu.memory_space<hbm>>
      %dma_wait3A_196 = arith.constant 0 : i32
      %dma_wait3A_197 = tpu.memref_slice %arg3[%arg0, %arg1, %dma_wait3A_192, %dma_wait3A_196] : memref<2x16x158x128xi32, #tpu.memory_space<hbm>> -> memref<1x1x1x128xi32, #tpu.memory_space<hbm>>
      %dma_wait3A_198 = tpu.memref_squeeze %dma_wait3A_197 : memref<1x1x1x128xi32, #tpu.memory_space<hbm>> -> memref<128xi32, #tpu.memory_space<hbm>>
      tpu.wait_dma2 semaphore(%arg23 : memref<!tpu.dma_semaphore, #tpu.memory_space<semaphore_mem>>) src(%dma_wait3A_198 : memref<128xi32, #tpu.memory_space<hbm>>) dst(%arg12 : memref<128xi32, #tpu.memory_space<vmem>>)
      %dma_start3A_199 = arith.constant 0 : i32
      %dma_start3A_200 = arith.constant 0 : i32
      %dma_start3A_201 = tpu.memref_slice %arg2[%dma_start3A_199, %dma_start3A_200] : memref<20000x64xf32, #tpu.memory_space<hbm>> -> memref<20000x64xf32, #tpu.memory_space<hbm>>
      tpu.enqueue_indirect_dma source(%dma_start3A_201 : memref<20000x64xf32, #tpu.memory_space<hbm>>) target(%arg14 : memref<128x64xf32, #tpu.memory_space<vmem>>) offsets(%arg12 : memref<128xi32, #tpu.memory_space<vmem>>) semaphore(%arg25 : memref<!tpu.dma_semaphore, #tpu.memory_space<semaphore_mem>>)
      %mul3A_202 = arith.constant 20224 : i32
      %mul3A_203 = arith.muli %arg1, %mul3A_202 : i32
      %mul3A_204 = arith.constant 128 : i32
      %mul3A_205 = arith.muli %add3A_191, %mul3A_204 : i32
      %add3A_206 = arith.addi %mul3A_203, %mul3A_205 : i32
      %lt3A_207 = arith.constant 320000 : i32
      %lt3A_208 = arith.cmpi slt, %add3A_206, %lt3A_207 : i32
      %and3A_209 = arith.andi %eq3A_1, %lt3A_208 : i1
      %convert_element_type3A_210 = arith.extui %and3A_209 : i1 to i32
      %cond3A_211 = arith.constant 0 : i32
      %cond3A_212 = arith.cmpi ne, %convert_element_type3A_210, %cond3A_211 : i32
      scf.if %cond3A_212 {
        %mul3A_268 = arith.constant 20224 : i32
        %mul3A_269 = arith.muli %arg1, %mul3A_268 : i32
        %mul3A_270 = arith.constant 128 : i32
        %mul3A_271 = arith.muli %add3A_191, %mul3A_270 : i32
        %add3A_272 = arith.addi %mul3A_269, %mul3A_271 : i32
        %dma_start3A_273 = arith.constant 0 : i32
        %dma_start3A_274 = tpu.memref_slice %arg5[%add3A_272, %dma_start3A_273] : memref<320000x16xf32, #tpu.memory_space<hbm>> -> memref<128x16xf32, #tpu.memory_space<hbm>>
        %dma_start3A_275 = arith.constant 0 : i32
        %dma_start3A_276 = tpu.memref_slice %arg5[%add3A_272, %dma_start3A_275] : memref<320000x16xf32, #tpu.memory_space<hbm>> -> memref<128x16xf32, #tpu.memory_space<hbm>>
        tpu.enqueue_dma source(%dma_start3A_276 : memref<128x16xf32, #tpu.memory_space<hbm>>) target(%arg16 : memref<128x16xf32, #tpu.memory_space<vmem>>) target_semaphore(%arg27 : memref<!tpu.dma_semaphore, #tpu.memory_space<semaphore_mem>>)
      } else {
      }
      %add3A_213 = arith.constant 1 : i32
      %add3A_214 = arith.addi %mul3A_159, %add3A_213 : i32
      %add3A_215 = arith.constant 3 : i32
      %add3A_216 = arith.addi %mul3A_159, %add3A_215 : i32
      %dma_wait3A_217 = arith.constant 0 : i32
      %dma_wait3A_218 = arith.constant 0 : i32
      %dma_wait3A_219 = tpu.memref_slice %arg2[%dma_wait3A_217, %dma_wait3A_218] : memref<20000x64xf32, #tpu.memory_space<hbm>> -> memref<128x64xf32, #tpu.memory_space<hbm>>
      %dma_wait3A_220 = arith.constant 0 : i32
      %dma_wait3A_221 = arith.constant 0 : i32
      %dma_wait3A_222 = tpu.memref_slice %arg2[%dma_wait3A_220, %dma_wait3A_221] : memref<20000x64xf32, #tpu.memory_space<hbm>> -> memref<128x64xf32, #tpu.memory_space<hbm>>
      tpu.wait_dma2 semaphore(%arg26 : memref<!tpu.dma_semaphore, #tpu.memory_space<semaphore_mem>>) src(%dma_wait3A_222 : memref<128x64xf32, #tpu.memory_space<hbm>>) dst(%arg15 : memref<128x64xf32, #tpu.memory_space<vmem>>)
      %dma_start3A_223 = arith.constant 0 : i32
      %dma_start3A_224 = tpu.memref_slice %arg3[%arg0, %arg1, %add3A_216, %dma_start3A_223] : memref<2x16x158x128xi32, #tpu.memory_space<hbm>> -> memref<1x1x1x128xi32, #tpu.memory_space<hbm>>
      %dma_start3A_225 = tpu.memref_squeeze %dma_start3A_224 : memref<1x1x1x128xi32, #tpu.memory_space<hbm>> -> memref<128xi32, #tpu.memory_space<hbm>>
      %dma_start3A_226 = arith.constant 0 : i32
      %dma_start3A_227 = tpu.memref_slice %arg3[%arg0, %arg1, %add3A_216, %dma_start3A_226] : memref<2x16x158x128xi32, #tpu.memory_space<hbm>> -> memref<1x1x1x128xi32, #tpu.memory_space<hbm>>
      %dma_start3A_228 = tpu.memref_squeeze %dma_start3A_227 : memref<1x1x1x128xi32, #tpu.memory_space<hbm>> -> memref<128xi32, #tpu.memory_space<hbm>>
      tpu.enqueue_dma source(%dma_start3A_228 : memref<128xi32, #tpu.memory_space<hbm>>) target(%arg13 : memref<128xi32, #tpu.memory_space<vmem>>) target_semaphore(%arg24 : memref<!tpu.dma_semaphore, #tpu.memory_space<semaphore_mem>>)
      "tpu.region"() ({
        %run_scoped3A_268 = tpu.sem_alloc : memref<!tpu.dma_semaphore, #tpu.memory_space<semaphore_mem>>
        %dma_start3A_269 = arith.constant 0 : i32
        %dma_start3A_270 = tpu.memref_slice %arg11[%add3A_214, %dma_start3A_269] : memref<158x128xi32, #tpu.memory_space<vmem>> -> memref<1x128xi32, #tpu.memory_space<vmem>>
        %dma_start3A_271 = tpu.memref_squeeze %dma_start3A_270 : memref<1x128xi32, #tpu.memory_space<vmem>> -> memref<128xi32, #tpu.memory_space<vmem>>
        %dma_start3A_272 = arith.constant 0 : i32
        %dma_start3A_273 = arith.constant 0 : i32
        %dma_start3A_274 = tpu.memref_slice %arg21[%dma_start3A_272, %dma_start3A_273] : memref<10240x64xf32, #tpu.memory_space<vmem_shared>> -> memref<10240x64xf32, #tpu.memory_space<vmem_shared>>
        tpu.enqueue_indirect_dma source(%arg15 : memref<128x64xf32, #tpu.memory_space<vmem>>) target(%dma_start3A_274 : memref<10240x64xf32, #tpu.memory_space<vmem_shared>>) offsets(%dma_start3A_271 : memref<128xi32, #tpu.memory_space<vmem>>) semaphore(%run_scoped3A_268 : memref<!tpu.dma_semaphore, #tpu.memory_space<semaphore_mem>>) {add = true}
        %dma_wait3A_275 = arith.constant 0 : i32
        %dma_wait3A_276 = tpu.memref_slice %arg11[%add3A_214, %dma_wait3A_275] : memref<158x128xi32, #tpu.memory_space<vmem>> -> memref<1x128xi32, #tpu.memory_space<vmem>>
        %dma_wait3A_277 = tpu.memref_squeeze %dma_wait3A_276 : memref<1x128xi32, #tpu.memory_space<vmem>> -> memref<128xi32, #tpu.memory_space<vmem>>
        %dma_wait3A_278 = arith.constant 0 : i32
        %dma_wait3A_279 = arith.constant 0 : i32
        %dma_wait3A_280 = tpu.memref_slice %arg21[%dma_wait3A_278, %dma_wait3A_279] : memref<10240x64xf32, #tpu.memory_space<vmem_shared>> -> memref<10240x64xf32, #tpu.memory_space<vmem_shared>>
        tpu.wait_indirect_dma semaphore(%run_scoped3A_268 : memref<!tpu.dma_semaphore, #tpu.memory_space<semaphore_mem>>) src(%arg15 : memref<128x64xf32, #tpu.memory_space<vmem>>) dst(%dma_wait3A_280 : memref<10240x64xf32, #tpu.memory_space<vmem_shared>>)
        tpu.yield
      }) : () -> ()
      %mul3A_229 = arith.constant 20224 : i32
      %mul3A_230 = arith.muli %arg1, %mul3A_229 : i32
      %mul3A_231 = arith.constant 128 : i32
      %mul3A_232 = arith.muli %add3A_214, %mul3A_231 : i32
      %add3A_233 = arith.addi %mul3A_230, %mul3A_232 : i32
      %lt3A_234 = arith.constant 320000 : i32
      %lt3A_235 = arith.cmpi slt, %add3A_233, %lt3A_234 : i32
      %and3A_236 = arith.andi %eq3A_1, %lt3A_235 : i1
      %convert_element_type3A_237 = arith.extui %and3A_236 : i1 to i32
      %cond3A_238 = arith.constant 0 : i32
      %cond3A_239 = arith.cmpi ne, %convert_element_type3A_237, %cond3A_238 : i32
      scf.if %cond3A_239 {
        %dma_wait3A_268 = arith.constant 0 : i32
        %dma_wait3A_269 = arith.constant 0 : i32
        %dma_wait3A_270 = tpu.memref_slice %arg5[%dma_wait3A_268, %dma_wait3A_269] : memref<320000x16xf32, #tpu.memory_space<hbm>> -> memref<128x16xf32, #tpu.memory_space<hbm>>
        %dma_wait3A_271 = arith.constant 0 : i32
        %dma_wait3A_272 = arith.constant 0 : i32
        %dma_wait3A_273 = tpu.memref_slice %arg5[%dma_wait3A_271, %dma_wait3A_272] : memref<320000x16xf32, #tpu.memory_space<hbm>> -> memref<128x16xf32, #tpu.memory_space<hbm>>
        tpu.wait_dma2 semaphore(%arg28 : memref<!tpu.dma_semaphore, #tpu.memory_space<semaphore_mem>>) src(%dma_wait3A_273 : memref<128x16xf32, #tpu.memory_space<hbm>>) dst(%arg17 : memref<128x16xf32, #tpu.memory_space<vmem>>)
        "tpu.region"() ({
          %run_scoped3A_274 = tpu.sem_alloc : memref<!tpu.dma_semaphore, #tpu.memory_space<semaphore_mem>>
          %dma_start3A_275 = arith.constant 0 : i32
          %dma_start3A_276 = tpu.memref_slice %arg11[%add3A_214, %dma_start3A_275] : memref<158x128xi32, #tpu.memory_space<vmem>> -> memref<1x128xi32, #tpu.memory_space<vmem>>
          %dma_start3A_277 = tpu.memref_squeeze %dma_start3A_276 : memref<1x128xi32, #tpu.memory_space<vmem>> -> memref<128xi32, #tpu.memory_space<vmem>>
          %dma_start3A_278 = arith.constant 0 : i32
          %dma_start3A_279 = arith.constant 0 : i32
          %dma_start3A_280 = tpu.memref_slice %arg22[%dma_start3A_278, %dma_start3A_279] : memref<10240x16xf32, #tpu.memory_space<vmem_shared>> -> memref<10240x16xf32, #tpu.memory_space<vmem_shared>>
          tpu.enqueue_indirect_dma source(%arg17 : memref<128x16xf32, #tpu.memory_space<vmem>>) target(%dma_start3A_280 : memref<10240x16xf32, #tpu.memory_space<vmem_shared>>) offsets(%dma_start3A_277 : memref<128xi32, #tpu.memory_space<vmem>>) semaphore(%run_scoped3A_274 : memref<!tpu.dma_semaphore, #tpu.memory_space<semaphore_mem>>) {add = true}
          %dma_wait3A_281 = arith.constant 0 : i32
          %dma_wait3A_282 = tpu.memref_slice %arg11[%add3A_214, %dma_wait3A_281] : memref<158x128xi32, #tpu.memory_space<vmem>> -> memref<1x128xi32, #tpu.memory_space<vmem>>
          %dma_wait3A_283 = tpu.memref_squeeze %dma_wait3A_282 : memref<1x128xi32, #tpu.memory_space<vmem>> -> memref<128xi32, #tpu.memory_space<vmem>>
          %dma_wait3A_284 = arith.constant 0 : i32
          %dma_wait3A_285 = arith.constant 0 : i32
          %dma_wait3A_286 = tpu.memref_slice %arg22[%dma_wait3A_284, %dma_wait3A_285] : memref<10240x16xf32, #tpu.memory_space<vmem_shared>> -> memref<10240x16xf32, #tpu.memory_space<vmem_shared>>
          tpu.wait_indirect_dma semaphore(%run_scoped3A_274 : memref<!tpu.dma_semaphore, #tpu.memory_space<semaphore_mem>>) src(%arg17 : memref<128x16xf32, #tpu.memory_space<vmem>>) dst(%dma_wait3A_286 : memref<10240x16xf32, #tpu.memory_space<vmem_shared>>)
          tpu.yield
        }) : () -> ()
      } else {
      }
      %not3A_240 = arith.constant true
      %not3A_241 = arith.xori %eq3A_1, %not3A_240 : i1
      %convert_element_type3A_242 = arith.extui %not3A_241 : i1 to i32
      %cond3A_243 = arith.constant 0 : i32
      %cond3A_244 = arith.cmpi ne, %convert_element_type3A_242, %cond3A_243 : i32
      scf.if %cond3A_244 {
        "tpu.region"() ({
          %run_scoped3A_268 = tpu.sem_alloc : memref<!tpu.dma_semaphore, #tpu.memory_space<semaphore_mem>>
          %dma_start3A_269 = arith.constant 0 : i32
          %dma_start3A_270 = tpu.memref_slice %arg11[%add3A_214, %dma_start3A_269] : memref<158x128xi32, #tpu.memory_space<vmem>> -> memref<1x128xi32, #tpu.memory_space<vmem>>
          %dma_start3A_271 = tpu.memref_squeeze %dma_start3A_270 : memref<1x128xi32, #tpu.memory_space<vmem>> -> memref<128xi32, #tpu.memory_space<vmem>>
          %dma_start3A_272 = arith.constant 0 : i32
          %dma_start3A_273 = arith.constant 0 : i32
          %dma_start3A_274 = tpu.memref_slice %arg22[%dma_start3A_272, %dma_start3A_273] : memref<10240x16xf32, #tpu.memory_space<vmem_shared>> -> memref<10240x16xf32, #tpu.memory_space<vmem_shared>>
          tpu.enqueue_indirect_dma source(%arg18 : memref<128x16xf32, #tpu.memory_space<vmem>>) target(%dma_start3A_274 : memref<10240x16xf32, #tpu.memory_space<vmem_shared>>) offsets(%dma_start3A_271 : memref<128xi32, #tpu.memory_space<vmem>>) semaphore(%run_scoped3A_268 : memref<!tpu.dma_semaphore, #tpu.memory_space<semaphore_mem>>) {add = true}
          %dma_wait3A_275 = arith.constant 0 : i32
          %dma_wait3A_276 = tpu.memref_slice %arg11[%add3A_214, %dma_wait3A_275] : memref<158x128xi32, #tpu.memory_space<vmem>> -> memref<1x128xi32, #tpu.memory_space<vmem>>
          %dma_wait3A_277 = tpu.memref_squeeze %dma_wait3A_276 : memref<1x128xi32, #tpu.memory_space<vmem>> -> memref<128xi32, #tpu.memory_space<vmem>>
          %dma_wait3A_278 = arith.constant 0 : i32
          %dma_wait3A_279 = arith.constant 0 : i32
          %dma_wait3A_280 = tpu.memref_slice %arg22[%dma_wait3A_278, %dma_wait3A_279] : memref<10240x16xf32, #tpu.memory_space<vmem_shared>> -> memref<10240x16xf32, #tpu.memory_space<vmem_shared>>
          tpu.wait_indirect_dma semaphore(%run_scoped3A_268 : memref<!tpu.dma_semaphore, #tpu.memory_space<semaphore_mem>>) src(%arg18 : memref<128x16xf32, #tpu.memory_space<vmem>>) dst(%dma_wait3A_280 : memref<10240x16xf32, #tpu.memory_space<vmem_shared>>)
          tpu.yield
        }) : () -> ()
      } else {
      }
      %add3A_245 = arith.constant 3 : i32
      %add3A_246 = arith.addi %mul3A_159, %add3A_245 : i32
      %dma_wait3A_247 = arith.constant 0 : i32
      %dma_wait3A_248 = arith.constant 0 : i32
      %dma_wait3A_249 = tpu.memref_slice %arg3[%arg0, %arg1, %dma_wait3A_247, %dma_wait3A_248] : memref<2x16x158x128xi32, #tpu.memory_space<hbm>> -> memref<1x1x1x128xi32, #tpu.memory_space<hbm>>
      %dma_wait3A_250 = tpu.memref_squeeze %dma_wait3A_249 : memref<1x1x1x128xi32, #tpu.memory_space<hbm>> -> memref<128xi32, #tpu.memory_space<hbm>>
      %dma_wait3A_251 = arith.constant 0 : i32
      %dma_wait3A_252 = tpu.memref_slice %arg3[%arg0, %arg1, %dma_wait3A_247, %dma_wait3A_251] : memref<2x16x158x128xi32, #tpu.memory_space<hbm>> -> memref<1x1x1x128xi32, #tpu.memory_space<hbm>>
      %dma_wait3A_253 = tpu.memref_squeeze %dma_wait3A_252 : memref<1x1x1x128xi32, #tpu.memory_space<hbm>> -> memref<128xi32, #tpu.memory_space<hbm>>
      tpu.wait_dma2 semaphore(%arg24 : memref<!tpu.dma_semaphore, #tpu.memory_space<semaphore_mem>>) src(%dma_wait3A_253 : memref<128xi32, #tpu.memory_space<hbm>>) dst(%arg13 : memref<128xi32, #tpu.memory_space<vmem>>)
      %dma_start3A_254 = arith.constant 0 : i32
      %dma_start3A_255 = arith.constant 0 : i32
      %dma_start3A_256 = tpu.memref_slice %arg2[%dma_start3A_254, %dma_start3A_255] : memref<20000x64xf32, #tpu.memory_space<hbm>> -> memref<20000x64xf32, #tpu.memory_space<hbm>>
      tpu.enqueue_indirect_dma source(%dma_start3A_256 : memref<20000x64xf32, #tpu.memory_space<hbm>>) target(%arg15 : memref<128x64xf32, #tpu.memory_space<vmem>>) offsets(%arg13 : memref<128xi32, #tpu.memory_space<vmem>>) semaphore(%arg26 : memref<!tpu.dma_semaphore, #tpu.memory_space<semaphore_mem>>)
      %mul3A_257 = arith.constant 20224 : i32
      %mul3A_258 = arith.muli %arg1, %mul3A_257 : i32
      %mul3A_259 = arith.constant 128 : i32
      %mul3A_260 = arith.muli %add3A_246, %mul3A_259 : i32
      %add3A_261 = arith.addi %mul3A_258, %mul3A_260 : i32
      %lt3A_262 = arith.constant 320000 : i32
      %lt3A_263 = arith.cmpi slt, %add3A_261, %lt3A_262 : i32
      %and3A_264 = arith.andi %eq3A_1, %lt3A_263 : i1
      %convert_element_type3A_265 = arith.extui %and3A_264 : i1 to i32
      %cond3A_266 = arith.constant 0 : i32
      %cond3A_267 = arith.cmpi ne, %convert_element_type3A_265, %cond3A_266 : i32
      scf.if %cond3A_267 {
        %mul3A_268 = arith.constant 20224 : i32
        %mul3A_269 = arith.muli %arg1, %mul3A_268 : i32
        %mul3A_270 = arith.constant 128 : i32
        %mul3A_271 = arith.muli %add3A_246, %mul3A_270 : i32
        %add3A_272 = arith.addi %mul3A_269, %mul3A_271 : i32
        %dma_start3A_273 = arith.constant 0 : i32
        %dma_start3A_274 = tpu.memref_slice %arg5[%add3A_272, %dma_start3A_273] : memref<320000x16xf32, #tpu.memory_space<hbm>> -> memref<128x16xf32, #tpu.memory_space<hbm>>
        %dma_start3A_275 = arith.constant 0 : i32
        %dma_start3A_276 = tpu.memref_slice %arg5[%add3A_272, %dma_start3A_275] : memref<320000x16xf32, #tpu.memory_space<hbm>> -> memref<128x16xf32, #tpu.memory_space<hbm>>
        tpu.enqueue_dma source(%dma_start3A_276 : memref<128x16xf32, #tpu.memory_space<hbm>>) target(%arg17 : memref<128x16xf32, #tpu.memory_space<vmem>>) target_semaphore(%arg28 : memref<!tpu.dma_semaphore, #tpu.memory_space<semaphore_mem>>)
      } else {
      }
    }
    %scan3A_61 = arith.constant 78 : i32
    %dma_wait3A_62 = arith.constant 0 : i32
    %dma_wait3A_63 = arith.constant 0 : i32
    %dma_wait3A_64 = tpu.memref_slice %arg2[%dma_wait3A_62, %dma_wait3A_63] : memref<20000x64xf32, #tpu.memory_space<hbm>> -> memref<128x64xf32, #tpu.memory_space<hbm>>
    %dma_wait3A_65 = arith.constant 0 : i32
    %dma_wait3A_66 = arith.constant 0 : i32
    %dma_wait3A_67 = tpu.memref_slice %arg2[%dma_wait3A_65, %dma_wait3A_66] : memref<20000x64xf32, #tpu.memory_space<hbm>> -> memref<128x64xf32, #tpu.memory_space<hbm>>
    tpu.wait_dma2 semaphore(%arg25 : memref<!tpu.dma_semaphore, #tpu.memory_space<semaphore_mem>>) src(%dma_wait3A_67 : memref<128x64xf32, #tpu.memory_space<hbm>>) dst(%arg14 : memref<128x64xf32, #tpu.memory_space<vmem>>)
    %dma_start3A_68 = arith.constant 0 : i32
    %dma_start3A_69 = arith.constant 0 : i32
    %dma_start3A_70 = tpu.memref_slice %arg3[%arg0, %arg1, %dma_start3A_68, %dma_start3A_69] : memref<2x16x158x128xi32, #tpu.memory_space<hbm>> -> memref<1x1x1x128xi32, #tpu.memory_space<hbm>>
    %dma_start3A_71 = tpu.memref_squeeze %dma_start3A_70 : memref<1x1x1x128xi32, #tpu.memory_space<hbm>> -> memref<128xi32, #tpu.memory_space<hbm>>
    %dma_start3A_72 = arith.constant 0 : i32
    %dma_start3A_73 = tpu.memref_slice %arg3[%arg0, %arg1, %dma_start3A_68, %dma_start3A_72] : memref<2x16x158x128xi32, #tpu.memory_space<hbm>> -> memref<1x1x1x128xi32, #tpu.memory_space<hbm>>
    %dma_start3A_74 = tpu.memref_squeeze %dma_start3A_73 : memref<1x1x1x128xi32, #tpu.memory_space<hbm>> -> memref<128xi32, #tpu.memory_space<hbm>>
    tpu.enqueue_dma source(%dma_start3A_74 : memref<128xi32, #tpu.memory_space<hbm>>) target(%arg12 : memref<128xi32, #tpu.memory_space<vmem>>) target_semaphore(%arg23 : memref<!tpu.dma_semaphore, #tpu.memory_space<semaphore_mem>>)
    %run_scoped3A = arith.constant 156 : i32
    "tpu.region"() ({
      %run_scoped3A_157 = tpu.sem_alloc : memref<!tpu.dma_semaphore, #tpu.memory_space<semaphore_mem>>
      %dma_start3A_158 = arith.constant 0 : i32
      %dma_start3A_159 = tpu.memref_slice %arg11[%run_scoped3A, %dma_start3A_158] : memref<158x128xi32, #tpu.memory_space<vmem>> -> memref<1x128xi32, #tpu.memory_space<vmem>>
      %dma_start3A_160 = tpu.memref_squeeze %dma_start3A_159 : memref<1x128xi32, #tpu.memory_space<vmem>> -> memref<128xi32, #tpu.memory_space<vmem>>
      %dma_start3A_161 = arith.constant 0 : i32
      %dma_start3A_162 = arith.constant 0 : i32
      %dma_start3A_163 = tpu.memref_slice %arg21[%dma_start3A_161, %dma_start3A_162] : memref<10240x64xf32, #tpu.memory_space<vmem_shared>> -> memref<10240x64xf32, #tpu.memory_space<vmem_shared>>
      tpu.enqueue_indirect_dma source(%arg14 : memref<128x64xf32, #tpu.memory_space<vmem>>) target(%dma_start3A_163 : memref<10240x64xf32, #tpu.memory_space<vmem_shared>>) offsets(%dma_start3A_160 : memref<128xi32, #tpu.memory_space<vmem>>) semaphore(%run_scoped3A_157 : memref<!tpu.dma_semaphore, #tpu.memory_space<semaphore_mem>>) {add = true}
      %dma_wait3A_164 = arith.constant 0 : i32
      %dma_wait3A_165 = tpu.memref_slice %arg11[%run_scoped3A, %dma_wait3A_164] : memref<158x128xi32, #tpu.memory_space<vmem>> -> memref<1x128xi32, #tpu.memory_space<vmem>>
      %dma_wait3A_166 = tpu.memref_squeeze %dma_wait3A_165 : memref<1x128xi32, #tpu.memory_space<vmem>> -> memref<128xi32, #tpu.memory_space<vmem>>
      %dma_wait3A_167 = arith.constant 0 : i32
      %dma_wait3A_168 = arith.constant 0 : i32
      %dma_wait3A_169 = tpu.memref_slice %arg21[%dma_wait3A_167, %dma_wait3A_168] : memref<10240x64xf32, #tpu.memory_space<vmem_shared>> -> memref<10240x64xf32, #tpu.memory_space<vmem_shared>>
      tpu.wait_indirect_dma semaphore(%run_scoped3A_157 : memref<!tpu.dma_semaphore, #tpu.memory_space<semaphore_mem>>) src(%arg14 : memref<128x64xf32, #tpu.memory_space<vmem>>) dst(%dma_wait3A_169 : memref<10240x64xf32, #tpu.memory_space<vmem_shared>>)
      tpu.yield
    }) : () -> ()
    %mul3A_75 = arith.constant 20224 : i32
    %mul3A_76 = arith.muli %arg1, %mul3A_75 : i32
    %add3A_77 = arith.constant 19968 : i32
    %add3A_78 = arith.addi %mul3A_76, %add3A_77 : i32
    %lt3A_79 = arith.constant 320000 : i32
    %lt3A_80 = arith.cmpi slt, %add3A_78, %lt3A_79 : i32
    %and3A_81 = arith.andi %eq3A_1, %lt3A_80 : i1
    %convert_element_type3A_82 = arith.extui %and3A_81 : i1 to i32
    %cond3A_83 = arith.constant 0 : i32
    %cond3A_84 = arith.cmpi ne, %convert_element_type3A_82, %cond3A_83 : i32
    scf.if %cond3A_84 {
      %dma_wait3A_157 = arith.constant 0 : i32
      %dma_wait3A_158 = arith.constant 0 : i32
      %dma_wait3A_159 = tpu.memref_slice %arg5[%dma_wait3A_157, %dma_wait3A_158] : memref<320000x16xf32, #tpu.memory_space<hbm>> -> memref<128x16xf32, #tpu.memory_space<hbm>>
      %dma_wait3A_160 = arith.constant 0 : i32
      %dma_wait3A_161 = arith.constant 0 : i32
      %dma_wait3A_162 = tpu.memref_slice %arg5[%dma_wait3A_160, %dma_wait3A_161] : memref<320000x16xf32, #tpu.memory_space<hbm>> -> memref<128x16xf32, #tpu.memory_space<hbm>>
      tpu.wait_dma2 semaphore(%arg27 : memref<!tpu.dma_semaphore, #tpu.memory_space<semaphore_mem>>) src(%dma_wait3A_162 : memref<128x16xf32, #tpu.memory_space<hbm>>) dst(%arg16 : memref<128x16xf32, #tpu.memory_space<vmem>>)
      %run_scoped3A_163 = arith.constant 156 : i32
      "tpu.region"() ({
        %run_scoped3A_164 = tpu.sem_alloc : memref<!tpu.dma_semaphore, #tpu.memory_space<semaphore_mem>>
        %dma_start3A_165 = arith.constant 0 : i32
        %dma_start3A_166 = tpu.memref_slice %arg11[%run_scoped3A_163, %dma_start3A_165] : memref<158x128xi32, #tpu.memory_space<vmem>> -> memref<1x128xi32, #tpu.memory_space<vmem>>
        %dma_start3A_167 = tpu.memref_squeeze %dma_start3A_166 : memref<1x128xi32, #tpu.memory_space<vmem>> -> memref<128xi32, #tpu.memory_space<vmem>>
        %dma_start3A_168 = arith.constant 0 : i32
        %dma_start3A_169 = arith.constant 0 : i32
        %dma_start3A_170 = tpu.memref_slice %arg22[%dma_start3A_168, %dma_start3A_169] : memref<10240x16xf32, #tpu.memory_space<vmem_shared>> -> memref<10240x16xf32, #tpu.memory_space<vmem_shared>>
        tpu.enqueue_indirect_dma source(%arg16 : memref<128x16xf32, #tpu.memory_space<vmem>>) target(%dma_start3A_170 : memref<10240x16xf32, #tpu.memory_space<vmem_shared>>) offsets(%dma_start3A_167 : memref<128xi32, #tpu.memory_space<vmem>>) semaphore(%run_scoped3A_164 : memref<!tpu.dma_semaphore, #tpu.memory_space<semaphore_mem>>) {add = true}
        %dma_wait3A_171 = arith.constant 0 : i32
        %dma_wait3A_172 = tpu.memref_slice %arg11[%run_scoped3A_163, %dma_wait3A_171] : memref<158x128xi32, #tpu.memory_space<vmem>> -> memref<1x128xi32, #tpu.memory_space<vmem>>
        %dma_wait3A_173 = tpu.memref_squeeze %dma_wait3A_172 : memref<1x128xi32, #tpu.memory_space<vmem>> -> memref<128xi32, #tpu.memory_space<vmem>>
        %dma_wait3A_174 = arith.constant 0 : i32
        %dma_wait3A_175 = arith.constant 0 : i32
        %dma_wait3A_176 = tpu.memref_slice %arg22[%dma_wait3A_174, %dma_wait3A_175] : memref<10240x16xf32, #tpu.memory_space<vmem_shared>> -> memref<10240x16xf32, #tpu.memory_space<vmem_shared>>
        tpu.wait_indirect_dma semaphore(%run_scoped3A_164 : memref<!tpu.dma_semaphore, #tpu.memory_space<semaphore_mem>>) src(%arg16 : memref<128x16xf32, #tpu.memory_space<vmem>>) dst(%dma_wait3A_176 : memref<10240x16xf32, #tpu.memory_space<vmem_shared>>)
        tpu.yield
      }) : () -> ()
    } else {
    }
    %not3A = arith.constant true
    %not3A_85 = arith.xori %eq3A_1, %not3A : i1
    %convert_element_type3A_86 = arith.extui %not3A_85 : i1 to i32
    %cond3A_87 = arith.constant 0 : i32
    %cond3A_88 = arith.cmpi ne, %convert_element_type3A_86, %cond3A_87 : i32
    scf.if %cond3A_88 {
      %run_scoped3A_157 = arith.constant 156 : i32
      "tpu.region"() ({
        %run_scoped3A_158 = tpu.sem_alloc : memref<!tpu.dma_semaphore, #tpu.memory_space<semaphore_mem>>
        %dma_start3A_159 = arith.constant 0 : i32
        %dma_start3A_160 = tpu.memref_slice %arg11[%run_scoped3A_157, %dma_start3A_159] : memref<158x128xi32, #tpu.memory_space<vmem>> -> memref<1x128xi32, #tpu.memory_space<vmem>>
        %dma_start3A_161 = tpu.memref_squeeze %dma_start3A_160 : memref<1x128xi32, #tpu.memory_space<vmem>> -> memref<128xi32, #tpu.memory_space<vmem>>
        %dma_start3A_162 = arith.constant 0 : i32
        %dma_start3A_163 = arith.constant 0 : i32
        %dma_start3A_164 = tpu.memref_slice %arg22[%dma_start3A_162, %dma_start3A_163] : memref<10240x16xf32, #tpu.memory_space<vmem_shared>> -> memref<10240x16xf32, #tpu.memory_space<vmem_shared>>
        tpu.enqueue_indirect_dma source(%arg18 : memref<128x16xf32, #tpu.memory_space<vmem>>) target(%dma_start3A_164 : memref<10240x16xf32, #tpu.memory_space<vmem_shared>>) offsets(%dma_start3A_161 : memref<128xi32, #tpu.memory_space<vmem>>) semaphore(%run_scoped3A_158 : memref<!tpu.dma_semaphore, #tpu.memory_space<semaphore_mem>>) {add = true}
        %dma_wait3A_165 = arith.constant 0 : i32
        %dma_wait3A_166 = tpu.memref_slice %arg11[%run_scoped3A_157, %dma_wait3A_165] : memref<158x128xi32, #tpu.memory_space<vmem>> -> memref<1x128xi32, #tpu.memory_space<vmem>>
        %dma_wait3A_167 = tpu.memref_squeeze %dma_wait3A_166 : memref<1x128xi32, #tpu.memory_space<vmem>> -> memref<128xi32, #tpu.memory_space<vmem>>
        %dma_wait3A_168 = arith.constant 0 : i32
        %dma_wait3A_169 = arith.constant 0 : i32
        %dma_wait3A_170 = tpu.memref_slice %arg22[%dma_wait3A_168, %dma_wait3A_169] : memref<10240x16xf32, #tpu.memory_space<vmem_shared>> -> memref<10240x16xf32, #tpu.memory_space<vmem_shared>>
        tpu.wait_indirect_dma semaphore(%run_scoped3A_158 : memref<!tpu.dma_semaphore, #tpu.memory_space<semaphore_mem>>) src(%arg18 : memref<128x16xf32, #tpu.memory_space<vmem>>) dst(%dma_wait3A_170 : memref<10240x16xf32, #tpu.memory_space<vmem_shared>>)
        tpu.yield
      }) : () -> ()
    } else {
    }
    %dma_wait3A_89 = arith.constant 0 : i32
    %dma_wait3A_90 = arith.constant 0 : i32
    %dma_wait3A_91 = tpu.memref_slice %arg3[%arg0, %arg1, %dma_wait3A_89, %dma_wait3A_90] : memref<2x16x158x128xi32, #tpu.memory_space<hbm>> -> memref<1x1x1x128xi32, #tpu.memory_space<hbm>>
    %dma_wait3A_92 = tpu.memref_squeeze %dma_wait3A_91 : memref<1x1x1x128xi32, #tpu.memory_space<hbm>> -> memref<128xi32, #tpu.memory_space<hbm>>
    %dma_wait3A_93 = arith.constant 0 : i32
    %dma_wait3A_94 = tpu.memref_slice %arg3[%arg0, %arg1, %dma_wait3A_89, %dma_wait3A_93] : memref<2x16x158x128xi32, #tpu.memory_space<hbm>> -> memref<1x1x1x128xi32, #tpu.memory_space<hbm>>
    %dma_wait3A_95 = tpu.memref_squeeze %dma_wait3A_94 : memref<1x1x1x128xi32, #tpu.memory_space<hbm>> -> memref<128xi32, #tpu.memory_space<hbm>>
    tpu.wait_dma2 semaphore(%arg23 : memref<!tpu.dma_semaphore, #tpu.memory_space<semaphore_mem>>) src(%dma_wait3A_95 : memref<128xi32, #tpu.memory_space<hbm>>) dst(%arg12 : memref<128xi32, #tpu.memory_space<vmem>>)
    %dma_wait3A_96 = arith.constant 0 : i32
    %dma_wait3A_97 = arith.constant 0 : i32
    %dma_wait3A_98 = tpu.memref_slice %arg2[%dma_wait3A_96, %dma_wait3A_97] : memref<20000x64xf32, #tpu.memory_space<hbm>> -> memref<128x64xf32, #tpu.memory_space<hbm>>
    %dma_wait3A_99 = arith.constant 0 : i32
    %dma_wait3A_100 = arith.constant 0 : i32
    %dma_wait3A_101 = tpu.memref_slice %arg2[%dma_wait3A_99, %dma_wait3A_100] : memref<20000x64xf32, #tpu.memory_space<hbm>> -> memref<128x64xf32, #tpu.memory_space<hbm>>
    tpu.wait_dma2 semaphore(%arg26 : memref<!tpu.dma_semaphore, #tpu.memory_space<semaphore_mem>>) src(%dma_wait3A_101 : memref<128x64xf32, #tpu.memory_space<hbm>>) dst(%arg15 : memref<128x64xf32, #tpu.memory_space<vmem>>)
    %dma_start3A_102 = arith.constant 0 : i32
    %dma_start3A_103 = arith.constant 0 : i32
    %dma_start3A_104 = tpu.memref_slice %arg3[%arg0, %arg1, %dma_start3A_102, %dma_start3A_103] : memref<2x16x158x128xi32, #tpu.memory_space<hbm>> -> memref<1x1x1x128xi32, #tpu.memory_space<hbm>>
    %dma_start3A_105 = tpu.memref_squeeze %dma_start3A_104 : memref<1x1x1x128xi32, #tpu.memory_space<hbm>> -> memref<128xi32, #tpu.memory_space<hbm>>
    %dma_start3A_106 = arith.constant 0 : i32
    %dma_start3A_107 = tpu.memref_slice %arg3[%arg0, %arg1, %dma_start3A_102, %dma_start3A_106] : memref<2x16x158x128xi32, #tpu.memory_space<hbm>> -> memref<1x1x1x128xi32, #tpu.memory_space<hbm>>
    %dma_start3A_108 = tpu.memref_squeeze %dma_start3A_107 : memref<1x1x1x128xi32, #tpu.memory_space<hbm>> -> memref<128xi32, #tpu.memory_space<hbm>>
    tpu.enqueue_dma source(%dma_start3A_108 : memref<128xi32, #tpu.memory_space<hbm>>) target(%arg13 : memref<128xi32, #tpu.memory_space<vmem>>) target_semaphore(%arg24 : memref<!tpu.dma_semaphore, #tpu.memory_space<semaphore_mem>>)
    %run_scoped3A_109 = arith.constant 157 : i32
    "tpu.region"() ({
      %run_scoped3A_157 = tpu.sem_alloc : memref<!tpu.dma_semaphore, #tpu.memory_space<semaphore_mem>>
      %dma_start3A_158 = arith.constant 0 : i32
      %dma_start3A_159 = tpu.memref_slice %arg11[%run_scoped3A_109, %dma_start3A_158] : memref<158x128xi32, #tpu.memory_space<vmem>> -> memref<1x128xi32, #tpu.memory_space<vmem>>
      %dma_start3A_160 = tpu.memref_squeeze %dma_start3A_159 : memref<1x128xi32, #tpu.memory_space<vmem>> -> memref<128xi32, #tpu.memory_space<vmem>>
      %dma_start3A_161 = arith.constant 0 : i32
      %dma_start3A_162 = arith.constant 0 : i32
      %dma_start3A_163 = tpu.memref_slice %arg21[%dma_start3A_161, %dma_start3A_162] : memref<10240x64xf32, #tpu.memory_space<vmem_shared>> -> memref<10240x64xf32, #tpu.memory_space<vmem_shared>>
      tpu.enqueue_indirect_dma source(%arg15 : memref<128x64xf32, #tpu.memory_space<vmem>>) target(%dma_start3A_163 : memref<10240x64xf32, #tpu.memory_space<vmem_shared>>) offsets(%dma_start3A_160 : memref<128xi32, #tpu.memory_space<vmem>>) semaphore(%run_scoped3A_157 : memref<!tpu.dma_semaphore, #tpu.memory_space<semaphore_mem>>) {add = true}
      %dma_wait3A_164 = arith.constant 0 : i32
      %dma_wait3A_165 = tpu.memref_slice %arg11[%run_scoped3A_109, %dma_wait3A_164] : memref<158x128xi32, #tpu.memory_space<vmem>> -> memref<1x128xi32, #tpu.memory_space<vmem>>
      %dma_wait3A_166 = tpu.memref_squeeze %dma_wait3A_165 : memref<1x128xi32, #tpu.memory_space<vmem>> -> memref<128xi32, #tpu.memory_space<vmem>>
      %dma_wait3A_167 = arith.constant 0 : i32
      %dma_wait3A_168 = arith.constant 0 : i32
      %dma_wait3A_169 = tpu.memref_slice %arg21[%dma_wait3A_167, %dma_wait3A_168] : memref<10240x64xf32, #tpu.memory_space<vmem_shared>> -> memref<10240x64xf32, #tpu.memory_space<vmem_shared>>
      tpu.wait_indirect_dma semaphore(%run_scoped3A_157 : memref<!tpu.dma_semaphore, #tpu.memory_space<semaphore_mem>>) src(%arg15 : memref<128x64xf32, #tpu.memory_space<vmem>>) dst(%dma_wait3A_169 : memref<10240x64xf32, #tpu.memory_space<vmem_shared>>)
      tpu.yield
    }) : () -> ()
    %mul3A_110 = arith.constant 20224 : i32
    %mul3A_111 = arith.muli %arg1, %mul3A_110 : i32
    %add3A_112 = arith.constant 20096 : i32
    %add3A_113 = arith.addi %mul3A_111, %add3A_112 : i32
    %lt3A_114 = arith.constant 320000 : i32
    %lt3A_115 = arith.cmpi slt, %add3A_113, %lt3A_114 : i32
    %and3A_116 = arith.andi %eq3A_1, %lt3A_115 : i1
    %convert_element_type3A_117 = arith.extui %and3A_116 : i1 to i32
    %cond3A_118 = arith.constant 0 : i32
    %cond3A_119 = arith.cmpi ne, %convert_element_type3A_117, %cond3A_118 : i32
    scf.if %cond3A_119 {
      %dma_wait3A_157 = arith.constant 0 : i32
      %dma_wait3A_158 = arith.constant 0 : i32
      %dma_wait3A_159 = tpu.memref_slice %arg5[%dma_wait3A_157, %dma_wait3A_158] : memref<320000x16xf32, #tpu.memory_space<hbm>> -> memref<128x16xf32, #tpu.memory_space<hbm>>
      %dma_wait3A_160 = arith.constant 0 : i32
      %dma_wait3A_161 = arith.constant 0 : i32
      %dma_wait3A_162 = tpu.memref_slice %arg5[%dma_wait3A_160, %dma_wait3A_161] : memref<320000x16xf32, #tpu.memory_space<hbm>> -> memref<128x16xf32, #tpu.memory_space<hbm>>
      tpu.wait_dma2 semaphore(%arg28 : memref<!tpu.dma_semaphore, #tpu.memory_space<semaphore_mem>>) src(%dma_wait3A_162 : memref<128x16xf32, #tpu.memory_space<hbm>>) dst(%arg17 : memref<128x16xf32, #tpu.memory_space<vmem>>)
      %run_scoped3A_163 = arith.constant 157 : i32
      "tpu.region"() ({
        %run_scoped3A_164 = tpu.sem_alloc : memref<!tpu.dma_semaphore, #tpu.memory_space<semaphore_mem>>
        %dma_start3A_165 = arith.constant 0 : i32
        %dma_start3A_166 = tpu.memref_slice %arg11[%run_scoped3A_163, %dma_start3A_165] : memref<158x128xi32, #tpu.memory_space<vmem>> -> memref<1x128xi32, #tpu.memory_space<vmem>>
        %dma_start3A_167 = tpu.memref_squeeze %dma_start3A_166 : memref<1x128xi32, #tpu.memory_space<vmem>> -> memref<128xi32, #tpu.memory_space<vmem>>
        %dma_start3A_168 = arith.constant 0 : i32
        %dma_start3A_169 = arith.constant 0 : i32
        %dma_start3A_170 = tpu.memref_slice %arg22[%dma_start3A_168, %dma_start3A_169] : memref<10240x16xf32, #tpu.memory_space<vmem_shared>> -> memref<10240x16xf32, #tpu.memory_space<vmem_shared>>
        tpu.enqueue_indirect_dma source(%arg17 : memref<128x16xf32, #tpu.memory_space<vmem>>) target(%dma_start3A_170 : memref<10240x16xf32, #tpu.memory_space<vmem_shared>>) offsets(%dma_start3A_167 : memref<128xi32, #tpu.memory_space<vmem>>) semaphore(%run_scoped3A_164 : memref<!tpu.dma_semaphore, #tpu.memory_space<semaphore_mem>>) {add = true}
        %dma_wait3A_171 = arith.constant 0 : i32
        %dma_wait3A_172 = tpu.memref_slice %arg11[%run_scoped3A_163, %dma_wait3A_171] : memref<158x128xi32, #tpu.memory_space<vmem>> -> memref<1x128xi32, #tpu.memory_space<vmem>>
        %dma_wait3A_173 = tpu.memref_squeeze %dma_wait3A_172 : memref<1x128xi32, #tpu.memory_space<vmem>> -> memref<128xi32, #tpu.memory_space<vmem>>
        %dma_wait3A_174 = arith.constant 0 : i32
        %dma_wait3A_175 = arith.constant 0 : i32
        %dma_wait3A_176 = tpu.memref_slice %arg22[%dma_wait3A_174, %dma_wait3A_175] : memref<10240x16xf32, #tpu.memory_space<vmem_shared>> -> memref<10240x16xf32, #tpu.memory_space<vmem_shared>>
        tpu.wait_indirect_dma semaphore(%run_scoped3A_164 : memref<!tpu.dma_semaphore, #tpu.memory_space<semaphore_mem>>) src(%arg17 : memref<128x16xf32, #tpu.memory_space<vmem>>) dst(%dma_wait3A_176 : memref<10240x16xf32, #tpu.memory_space<vmem_shared>>)
        tpu.yield
      }) : () -> ()
    } else {
    }
    %not3A_120 = arith.constant true
    %not3A_121 = arith.xori %eq3A_1, %not3A_120 : i1
    %convert_element_type3A_122 = arith.extui %not3A_121 : i1 to i32
    %cond3A_123 = arith.constant 0 : i32
    %cond3A_124 = arith.cmpi ne, %convert_element_type3A_122, %cond3A_123 : i32
    scf.if %cond3A_124 {
      %run_scoped3A_157 = arith.constant 157 : i32
      "tpu.region"() ({
        %run_scoped3A_158 = tpu.sem_alloc : memref<!tpu.dma_semaphore, #tpu.memory_space<semaphore_mem>>
        %dma_start3A_159 = arith.constant 0 : i32
        %dma_start3A_160 = tpu.memref_slice %arg11[%run_scoped3A_157, %dma_start3A_159] : memref<158x128xi32, #tpu.memory_space<vmem>> -> memref<1x128xi32, #tpu.memory_space<vmem>>
        %dma_start3A_161 = tpu.memref_squeeze %dma_start3A_160 : memref<1x128xi32, #tpu.memory_space<vmem>> -> memref<128xi32, #tpu.memory_space<vmem>>
        %dma_start3A_162 = arith.constant 0 : i32
        %dma_start3A_163 = arith.constant 0 : i32
        %dma_start3A_164 = tpu.memref_slice %arg22[%dma_start3A_162, %dma_start3A_163] : memref<10240x16xf32, #tpu.memory_space<vmem_shared>> -> memref<10240x16xf32, #tpu.memory_space<vmem_shared>>
        tpu.enqueue_indirect_dma source(%arg18 : memref<128x16xf32, #tpu.memory_space<vmem>>) target(%dma_start3A_164 : memref<10240x16xf32, #tpu.memory_space<vmem_shared>>) offsets(%dma_start3A_161 : memref<128xi32, #tpu.memory_space<vmem>>) semaphore(%run_scoped3A_158 : memref<!tpu.dma_semaphore, #tpu.memory_space<semaphore_mem>>) {add = true}
        %dma_wait3A_165 = arith.constant 0 : i32
        %dma_wait3A_166 = tpu.memref_slice %arg11[%run_scoped3A_157, %dma_wait3A_165] : memref<158x128xi32, #tpu.memory_space<vmem>> -> memref<1x128xi32, #tpu.memory_space<vmem>>
        %dma_wait3A_167 = tpu.memref_squeeze %dma_wait3A_166 : memref<1x128xi32, #tpu.memory_space<vmem>> -> memref<128xi32, #tpu.memory_space<vmem>>
        %dma_wait3A_168 = arith.constant 0 : i32
        %dma_wait3A_169 = arith.constant 0 : i32
        %dma_wait3A_170 = tpu.memref_slice %arg22[%dma_wait3A_168, %dma_wait3A_169] : memref<10240x16xf32, #tpu.memory_space<vmem_shared>> -> memref<10240x16xf32, #tpu.memory_space<vmem_shared>>
        tpu.wait_indirect_dma semaphore(%run_scoped3A_158 : memref<!tpu.dma_semaphore, #tpu.memory_space<semaphore_mem>>) src(%arg18 : memref<128x16xf32, #tpu.memory_space<vmem>>) dst(%dma_wait3A_170 : memref<10240x16xf32, #tpu.memory_space<vmem_shared>>)
        tpu.yield
      }) : () -> ()
    } else {
    }
    %dma_wait3A_125 = arith.constant 0 : i32
    %dma_wait3A_126 = arith.constant 0 : i32
    %dma_wait3A_127 = tpu.memref_slice %arg3[%arg0, %arg1, %dma_wait3A_125, %dma_wait3A_126] : memref<2x16x158x128xi32, #tpu.memory_space<hbm>> -> memref<1x1x1x128xi32, #tpu.memory_space<hbm>>
    %dma_wait3A_128 = tpu.memref_squeeze %dma_wait3A_127 : memref<1x1x1x128xi32, #tpu.memory_space<hbm>> -> memref<128xi32, #tpu.memory_space<hbm>>
    %dma_wait3A_129 = arith.constant 0 : i32
    %dma_wait3A_130 = tpu.memref_slice %arg3[%arg0, %arg1, %dma_wait3A_125, %dma_wait3A_129] : memref<2x16x158x128xi32, #tpu.memory_space<hbm>> -> memref<1x1x1x128xi32, #tpu.memory_space<hbm>>
    %dma_wait3A_131 = tpu.memref_squeeze %dma_wait3A_130 : memref<1x1x1x128xi32, #tpu.memory_space<hbm>> -> memref<128xi32, #tpu.memory_space<hbm>>
    tpu.wait_dma2 semaphore(%arg24 : memref<!tpu.dma_semaphore, #tpu.memory_space<semaphore_mem>>) src(%dma_wait3A_131 : memref<128xi32, #tpu.memory_space<hbm>>) dst(%arg13 : memref<128xi32, #tpu.memory_space<vmem>>)
    %barrier3A_132 = arith.constant 0 : index
    tpu.barrier barrier_id(%barrier3A_132)
    %add3A_133 = arith.constant 0 : i32
    %add3A_134 = arith.addi %mul3A_0, %add3A_133 : i32
    "tpu.region"() ({
      %run_scoped3A_157 = tpu.sem_alloc : memref<!tpu.dma_semaphore, #tpu.memory_space<semaphore_mem>>
      %dma_start3A_158 = arith.constant 0 : i32
      %dma_start3A_159 = tpu.memref_slice %arg21[%add3A_134, %dma_start3A_158] : memref<10240x64xf32, #tpu.memory_space<vmem_shared>> -> memref<320x64xf32, #tpu.memory_space<vmem_shared>>
      %dma_start3A_160 = arith.constant 0 : i32
      %dma_start3A_161 = tpu.memref_slice %arg21[%add3A_134, %dma_start3A_160] : memref<10240x64xf32, #tpu.memory_space<vmem_shared>> -> memref<320x64xf32, #tpu.memory_space<vmem_shared>>
      tpu.enqueue_dma source(%dma_start3A_161 : memref<320x64xf32, #tpu.memory_space<vmem_shared>>) target(%arg19 : memref<320x64xf32, #tpu.memory_space<vmem>>) target_semaphore(%run_scoped3A_157 : memref<!tpu.dma_semaphore, #tpu.memory_space<semaphore_mem>>)
      %dma_wait3A_162 = arith.constant 0 : i32
      %dma_wait3A_163 = tpu.memref_slice %arg21[%add3A_134, %dma_wait3A_162] : memref<10240x64xf32, #tpu.memory_space<vmem_shared>> -> memref<320x64xf32, #tpu.memory_space<vmem_shared>>
      %dma_wait3A_164 = arith.constant 0 : i32
      %dma_wait3A_165 = tpu.memref_slice %arg21[%add3A_134, %dma_wait3A_164] : memref<10240x64xf32, #tpu.memory_space<vmem_shared>> -> memref<320x64xf32, #tpu.memory_space<vmem_shared>>
      tpu.wait_dma2 semaphore(%run_scoped3A_157 : memref<!tpu.dma_semaphore, #tpu.memory_space<semaphore_mem>>) src(%dma_wait3A_165 : memref<320x64xf32, #tpu.memory_space<vmem_shared>>) dst(%arg19 : memref<320x64xf32, #tpu.memory_space<vmem>>)
      tpu.yield
    }) : () -> ()
    %add3A_135 = arith.constant 0 : i32
    %add3A_136 = arith.addi %mul3A_0, %add3A_135 : i32
    %mul3A_137 = arith.constant 64 : i32
    %mul3A_138 = arith.muli %arg0, %mul3A_137 : i32
    "tpu.region"() ({
      %run_scoped3A_157 = tpu.sem_alloc : memref<!tpu.dma_semaphore, #tpu.memory_space<semaphore_mem>>
      %dma_start3A_158 = tpu.memref_slice %arg9[%add3A_136, %mul3A_138] : memref<10240x128xf32, #tpu.memory_space<hbm>> -> memref<320x64xf32, #tpu.memory_space<hbm>>
      %dma_start3A_159 = tpu.memref_slice %arg9[%add3A_136, %mul3A_138] : memref<10240x128xf32, #tpu.memory_space<hbm>> -> memref<320x64xf32, #tpu.memory_space<hbm>>
      tpu.enqueue_dma source(%arg19 : memref<320x64xf32, #tpu.memory_space<vmem>>) target(%dma_start3A_159 : memref<320x64xf32, #tpu.memory_space<hbm>>) target_semaphore(%run_scoped3A_157 : memref<!tpu.dma_semaphore, #tpu.memory_space<semaphore_mem>>)
      %dma_wait3A_160 = tpu.memref_slice %arg9[%add3A_136, %mul3A_138] : memref<10240x128xf32, #tpu.memory_space<hbm>> -> memref<320x64xf32, #tpu.memory_space<hbm>>
      %dma_wait3A_161 = tpu.memref_slice %arg9[%add3A_136, %mul3A_138] : memref<10240x128xf32, #tpu.memory_space<hbm>> -> memref<320x64xf32, #tpu.memory_space<hbm>>
      tpu.wait_dma2 semaphore(%run_scoped3A_157 : memref<!tpu.dma_semaphore, #tpu.memory_space<semaphore_mem>>) src(%arg19 : memref<320x64xf32, #tpu.memory_space<vmem>>) dst(%dma_wait3A_161 : memref<320x64xf32, #tpu.memory_space<hbm>>)
      tpu.yield
    }) : () -> ()
    %add3A_139 = arith.constant 0 : i32
    %add3A_140 = arith.addi %mul3A_0, %add3A_139 : i32
    "tpu.region"() ({
      %run_scoped3A_157 = tpu.sem_alloc : memref<!tpu.dma_semaphore, #tpu.memory_space<semaphore_mem>>
      %dma_start3A_158 = arith.constant 0 : i32
      %dma_start3A_159 = tpu.memref_slice %arg22[%add3A_140, %dma_start3A_158] : memref<10240x16xf32, #tpu.memory_space<vmem_shared>> -> memref<320x16xf32, #tpu.memory_space<vmem_shared>>
      %dma_start3A_160 = arith.constant 0 : i32
      %dma_start3A_161 = tpu.memref_slice %arg22[%add3A_140, %dma_start3A_160] : memref<10240x16xf32, #tpu.memory_space<vmem_shared>> -> memref<320x16xf32, #tpu.memory_space<vmem_shared>>
      tpu.enqueue_dma source(%dma_start3A_161 : memref<320x16xf32, #tpu.memory_space<vmem_shared>>) target(%arg20 : memref<320x16xf32, #tpu.memory_space<vmem>>) target_semaphore(%run_scoped3A_157 : memref<!tpu.dma_semaphore, #tpu.memory_space<semaphore_mem>>)
      %dma_wait3A_162 = arith.constant 0 : i32
      %dma_wait3A_163 = tpu.memref_slice %arg22[%add3A_140, %dma_wait3A_162] : memref<10240x16xf32, #tpu.memory_space<vmem_shared>> -> memref<320x16xf32, #tpu.memory_space<vmem_shared>>
      %dma_wait3A_164 = arith.constant 0 : i32
      %dma_wait3A_165 = tpu.memref_slice %arg22[%add3A_140, %dma_wait3A_164] : memref<10240x16xf32, #tpu.memory_space<vmem_shared>> -> memref<320x16xf32, #tpu.memory_space<vmem_shared>>
      tpu.wait_dma2 semaphore(%run_scoped3A_157 : memref<!tpu.dma_semaphore, #tpu.memory_space<semaphore_mem>>) src(%dma_wait3A_165 : memref<320x16xf32, #tpu.memory_space<vmem_shared>>) dst(%arg20 : memref<320x16xf32, #tpu.memory_space<vmem>>)
      tpu.yield
    }) : () -> ()
    %add3A_141 = arith.constant 0 : i32
    %add3A_142 = arith.addi %mul3A_0, %add3A_141 : i32
    %mul3A_143 = arith.constant 16 : i32
    %mul3A_144 = arith.muli %arg0, %mul3A_143 : i32
    "tpu.region"() ({
      %run_scoped3A_157 = tpu.sem_alloc : memref<!tpu.dma_semaphore, #tpu.memory_space<semaphore_mem>>
      %dma_start3A_158 = tpu.memref_slice %arg10[%add3A_142, %mul3A_144] : memref<10240x128xf32, #tpu.memory_space<hbm>> -> memref<320x16xf32, #tpu.memory_space<hbm>>
      %dma_start3A_159 = tpu.memref_slice %arg10[%add3A_142, %mul3A_144] : memref<10240x128xf32, #tpu.memory_space<hbm>> -> memref<320x16xf32, #tpu.memory_space<hbm>>
      tpu.enqueue_dma source(%arg20 : memref<320x16xf32, #tpu.memory_space<vmem>>) target(%dma_start3A_159 : memref<320x16xf32, #tpu.memory_space<hbm>>) target_semaphore(%run_scoped3A_157 : memref<!tpu.dma_semaphore, #tpu.memory_space<semaphore_mem>>)
      %dma_wait3A_160 = tpu.memref_slice %arg10[%add3A_142, %mul3A_144] : memref<10240x128xf32, #tpu.memory_space<hbm>> -> memref<320x16xf32, #tpu.memory_space<hbm>>
      %dma_wait3A_161 = tpu.memref_slice %arg10[%add3A_142, %mul3A_144] : memref<10240x128xf32, #tpu.memory_space<hbm>> -> memref<320x16xf32, #tpu.memory_space<hbm>>
      tpu.wait_dma2 semaphore(%run_scoped3A_157 : memref<!tpu.dma_semaphore, #tpu.memory_space<semaphore_mem>>) src(%arg20 : memref<320x16xf32, #tpu.memory_space<vmem>>) dst(%dma_wait3A_161 : memref<320x16xf32, #tpu.memory_space<hbm>>)
      tpu.yield
    }) : () -> ()
    %add3A_145 = arith.constant 320 : i32
    %add3A_146 = arith.addi %mul3A_0, %add3A_145 : i32
    "tpu.region"() ({
      %run_scoped3A_157 = tpu.sem_alloc : memref<!tpu.dma_semaphore, #tpu.memory_space<semaphore_mem>>
      %dma_start3A_158 = arith.constant 0 : i32
      %dma_start3A_159 = tpu.memref_slice %arg21[%add3A_146, %dma_start3A_158] : memref<10240x64xf32, #tpu.memory_space<vmem_shared>> -> memref<320x64xf32, #tpu.memory_space<vmem_shared>>
      %dma_start3A_160 = arith.constant 0 : i32
      %dma_start3A_161 = tpu.memref_slice %arg21[%add3A_146, %dma_start3A_160] : memref<10240x64xf32, #tpu.memory_space<vmem_shared>> -> memref<320x64xf32, #tpu.memory_space<vmem_shared>>
      tpu.enqueue_dma source(%dma_start3A_161 : memref<320x64xf32, #tpu.memory_space<vmem_shared>>) target(%arg19 : memref<320x64xf32, #tpu.memory_space<vmem>>) target_semaphore(%run_scoped3A_157 : memref<!tpu.dma_semaphore, #tpu.memory_space<semaphore_mem>>)
      %dma_wait3A_162 = arith.constant 0 : i32
      %dma_wait3A_163 = tpu.memref_slice %arg21[%add3A_146, %dma_wait3A_162] : memref<10240x64xf32, #tpu.memory_space<vmem_shared>> -> memref<320x64xf32, #tpu.memory_space<vmem_shared>>
      %dma_wait3A_164 = arith.constant 0 : i32
      %dma_wait3A_165 = tpu.memref_slice %arg21[%add3A_146, %dma_wait3A_164] : memref<10240x64xf32, #tpu.memory_space<vmem_shared>> -> memref<320x64xf32, #tpu.memory_space<vmem_shared>>
      tpu.wait_dma2 semaphore(%run_scoped3A_157 : memref<!tpu.dma_semaphore, #tpu.memory_space<semaphore_mem>>) src(%dma_wait3A_165 : memref<320x64xf32, #tpu.memory_space<vmem_shared>>) dst(%arg19 : memref<320x64xf32, #tpu.memory_space<vmem>>)
      tpu.yield
    }) : () -> ()
    %add3A_147 = arith.constant 320 : i32
    %add3A_148 = arith.addi %mul3A_0, %add3A_147 : i32
    %mul3A_149 = arith.constant 64 : i32
    %mul3A_150 = arith.muli %arg0, %mul3A_149 : i32
    "tpu.region"() ({
      %run_scoped3A_157 = tpu.sem_alloc : memref<!tpu.dma_semaphore, #tpu.memory_space<semaphore_mem>>
      %dma_start3A_158 = tpu.memref_slice %arg9[%add3A_148, %mul3A_150] : memref<10240x128xf32, #tpu.memory_space<hbm>> -> memref<320x64xf32, #tpu.memory_space<hbm>>
      %dma_start3A_159 = tpu.memref_slice %arg9[%add3A_148, %mul3A_150] : memref<10240x128xf32, #tpu.memory_space<hbm>> -> memref<320x64xf32, #tpu.memory_space<hbm>>
      tpu.enqueue_dma source(%arg19 : memref<320x64xf32, #tpu.memory_space<vmem>>) target(%dma_start3A_159 : memref<320x64xf32, #tpu.memory_space<hbm>>) target_semaphore(%run_scoped3A_157 : memref<!tpu.dma_semaphore, #tpu.memory_space<semaphore_mem>>)
      %dma_wait3A_160 = tpu.memref_slice %arg9[%add3A_148, %mul3A_150] : memref<10240x128xf32, #tpu.memory_space<hbm>> -> memref<320x64xf32, #tpu.memory_space<hbm>>
      %dma_wait3A_161 = tpu.memref_slice %arg9[%add3A_148, %mul3A_150] : memref<10240x128xf32, #tpu.memory_space<hbm>> -> memref<320x64xf32, #tpu.memory_space<hbm>>
      tpu.wait_dma2 semaphore(%run_scoped3A_157 : memref<!tpu.dma_semaphore, #tpu.memory_space<semaphore_mem>>) src(%arg19 : memref<320x64xf32, #tpu.memory_space<vmem>>) dst(%dma_wait3A_161 : memref<320x64xf32, #tpu.memory_space<hbm>>)
      tpu.yield
    }) : () -> ()
    %add3A_151 = arith.constant 320 : i32
    %add3A_152 = arith.addi %mul3A_0, %add3A_151 : i32
    "tpu.region"() ({
      %run_scoped3A_157 = tpu.sem_alloc : memref<!tpu.dma_semaphore, #tpu.memory_space<semaphore_mem>>
      %dma_start3A_158 = arith.constant 0 : i32
      %dma_start3A_159 = tpu.memref_slice %arg22[%add3A_152, %dma_start3A_158] : memref<10240x16xf32, #tpu.memory_space<vmem_shared>> -> memref<320x16xf32, #tpu.memory_space<vmem_shared>>
      %dma_start3A_160 = arith.constant 0 : i32
      %dma_start3A_161 = tpu.memref_slice %arg22[%add3A_152, %dma_start3A_160] : memref<10240x16xf32, #tpu.memory_space<vmem_shared>> -> memref<320x16xf32, #tpu.memory_space<vmem_shared>>
      tpu.enqueue_dma source(%dma_start3A_161 : memref<320x16xf32, #tpu.memory_space<vmem_shared>>) target(%arg20 : memref<320x16xf32, #tpu.memory_space<vmem>>) target_semaphore(%run_scoped3A_157 : memref<!tpu.dma_semaphore, #tpu.memory_space<semaphore_mem>>)
      %dma_wait3A_162 = arith.constant 0 : i32
      %dma_wait3A_163 = tpu.memref_slice %arg22[%add3A_152, %dma_wait3A_162] : memref<10240x16xf32, #tpu.memory_space<vmem_shared>> -> memref<320x16xf32, #tpu.memory_space<vmem_shared>>
      %dma_wait3A_164 = arith.constant 0 : i32
      %dma_wait3A_165 = tpu.memref_slice %arg22[%add3A_152, %dma_wait3A_164] : memref<10240x16xf32, #tpu.memory_space<vmem_shared>> -> memref<320x16xf32, #tpu.memory_space<vmem_shared>>
      tpu.wait_dma2 semaphore(%run_scoped3A_157 : memref<!tpu.dma_semaphore, #tpu.memory_space<semaphore_mem>>) src(%dma_wait3A_165 : memref<320x16xf32, #tpu.memory_space<vmem_shared>>) dst(%arg20 : memref<320x16xf32, #tpu.memory_space<vmem>>)
      tpu.yield
    }) : () -> ()
    %add3A_153 = arith.constant 320 : i32
    %add3A_154 = arith.addi %mul3A_0, %add3A_153 : i32
    %mul3A_155 = arith.constant 16 : i32
    %mul3A_156 = arith.muli %arg0, %mul3A_155 : i32
    "tpu.region"() ({
      %run_scoped3A_157 = tpu.sem_alloc : memref<!tpu.dma_semaphore, #tpu.memory_space<semaphore_mem>>
      %dma_start3A_158 = tpu.memref_slice %arg10[%add3A_154, %mul3A_156] : memref<10240x128xf32, #tpu.memory_space<hbm>> -> memref<320x16xf32, #tpu.memory_space<hbm>>
      %dma_start3A_159 = tpu.memref_slice %arg10[%add3A_154, %mul3A_156] : memref<10240x128xf32, #tpu.memory_space<hbm>> -> memref<320x16xf32, #tpu.memory_space<hbm>>
      tpu.enqueue_dma source(%arg20 : memref<320x16xf32, #tpu.memory_space<vmem>>) target(%dma_start3A_159 : memref<320x16xf32, #tpu.memory_space<hbm>>) target_semaphore(%run_scoped3A_157 : memref<!tpu.dma_semaphore, #tpu.memory_space<semaphore_mem>>)
      %dma_wait3A_160 = tpu.memref_slice %arg10[%add3A_154, %mul3A_156] : memref<10240x128xf32, #tpu.memory_space<hbm>> -> memref<320x16xf32, #tpu.memory_space<hbm>>
      %dma_wait3A_161 = tpu.memref_slice %arg10[%add3A_154, %mul3A_156] : memref<10240x128xf32, #tpu.memory_space<hbm>> -> memref<320x16xf32, #tpu.memory_space<hbm>>
      tpu.wait_dma2 semaphore(%run_scoped3A_157 : memref<!tpu.dma_semaphore, #tpu.memory_space<semaphore_mem>>) src(%arg20 : memref<320x16xf32, #tpu.memory_space<vmem>>) dst(%dma_wait3A_161 : memref<320x16xf32, #tpu.memory_space<hbm>>)
      tpu.yield
    }) : () -> ()
    return
  }
}

module attributes {stable_mosaic.version = 14 : i64} {
  func.func @body(%arg0: memref<10000x128xf32, #tpu.memory_space<vmem>>, %arg1: memref<10240x128xf32, #tpu.memory_space<vmem>>, %arg2: memref<10240x128xf32, #tpu.memory_space<vmem>>, %arg3: memref<144x128xf32, #tpu.memory_space<vmem>>, %arg4: memref<1x128xf32, #tpu.memory_space<vmem>>, %arg5: memref<128x128xf32, #tpu.memory_space<vmem>>, %arg6: memref<1x128xf32, #tpu.memory_space<vmem>>, %arg7: memref<128x128xf32, #tpu.memory_space<vmem>>, %arg8: memref<1x128xf32, #tpu.memory_space<vmem>>, %arg9: memref<256x128xf32, #tpu.memory_space<vmem>>, %arg10: memref<1x128xf32, #tpu.memory_space<vmem>>, %arg11: memref<128x128xf32, #tpu.memory_space<vmem>>, %arg12: memref<1x128xf32, #tpu.memory_space<vmem>>, %arg13: memref<128x128xf32, #tpu.memory_space<vmem>>, %arg14: memref<1x128xf32, #tpu.memory_space<vmem>>, %arg15: memref<10000x128xf32, #tpu.memory_space<vmem>>) attributes {dimension_semantics = [], scalar_prefetch = 0 : i64, scratch_operands = 0 : i64, tpu.core_type = #tpu.core_type<tc>} {
    %get3A = arith.constant 0 : index
    %get3A_0 = arith.constant 0 : index
    %get3A_1 = vector.load %arg5[%get3A, %get3A_0] : memref<128x128xf32, #tpu.memory_space<vmem>>, vector<128x128xf32>
    %get3A_2 = arith.constant 0 : index
    %get3A_3 = arith.constant 0 : index
    %get3A_4 = vector.load %arg7[%get3A_2, %get3A_3] : memref<128x128xf32, #tpu.memory_space<vmem>>, vector<128x128xf32>
    %dot_general3A = arith.constant dense<0.000000e+00> : vector<128x128xf32>
    %dot_general3A_5 = tpu.matmul %get3A_1, %get3A_4, %dot_general3A {dimension_numbers = #tpu.dot_dimension_numbers<[1], [0], [0], [1], [0, 0, 1, 1], [], []>, transpose_lhs_hint = false} : vector<128x128xf32>, vector<128x128xf32>, vector<128x128xf32> -> vector<128x128xf32>
    %get3A_6 = arith.constant 0 : index
    %get3A_7 = arith.constant 0 : index
    %get3A_8 = vector.load %arg3[%get3A_6, %get3A_7] : memref<144x128xf32, #tpu.memory_space<vmem>>, vector<144x128xf32>
    %dot_general3A_9 = arith.constant dense<0.000000e+00> : vector<144x128xf32>
    %dot_general3A_10 = tpu.matmul %get3A_8, %dot_general3A_5, %dot_general3A_9 {dimension_numbers = #tpu.dot_dimension_numbers<[1], [0], [0], [1], [0, 0, 1, 1], [], []>, transpose_lhs_hint = false} : vector<144x128xf32>, vector<128x128xf32>, vector<144x128xf32> -> vector<144x128xf32>
    %get3A_11 = arith.constant 0 : index
    %get3A_12 = arith.constant 0 : index
    %get3A_13 = vector.load %arg4[%get3A_11, %get3A_12] : memref<1x128xf32, #tpu.memory_space<vmem>>, vector<1x128xf32>
    %dot_general3A_14 = arith.constant dense<0.000000e+00> : vector<1x128xf32>
    %dot_general3A_15 = tpu.matmul %get3A_13, %dot_general3A_5, %dot_general3A_14 {dimension_numbers = #tpu.dot_dimension_numbers<[1], [0], [0], [1], [0, 0, 1, 1], [], []>, transpose_lhs_hint = false} : vector<1x128xf32>, vector<128x128xf32>, vector<1x128xf32> -> vector<1x128xf32>
    %get3A_16 = arith.constant 0 : index
    %get3A_17 = arith.constant 0 : index
    %get3A_18 = vector.load %arg6[%get3A_16, %get3A_17] : memref<1x128xf32, #tpu.memory_space<vmem>>, vector<1x128xf32>
    %get3A_19 = arith.constant 0 : index
    %get3A_20 = arith.constant 0 : index
    %get3A_21 = vector.load %arg7[%get3A_19, %get3A_20] : memref<128x128xf32, #tpu.memory_space<vmem>>, vector<128x128xf32>
    %dot_general3A_22 = arith.constant dense<0.000000e+00> : vector<1x128xf32>
    %dot_general3A_23 = tpu.matmul %get3A_18, %get3A_21, %dot_general3A_22 {dimension_numbers = #tpu.dot_dimension_numbers<[1], [0], [0], [1], [0, 0, 1, 1], [], []>, transpose_lhs_hint = false} : vector<1x128xf32>, vector<128x128xf32>, vector<1x128xf32> -> vector<1x128xf32>
    %add3A = arith.addf %dot_general3A_15, %dot_general3A_23 : vector<1x128xf32>
    %get3A_24 = arith.constant 0 : index
    %get3A_25 = arith.constant 0 : index
    %get3A_26 = vector.load %arg8[%get3A_24, %get3A_25] : memref<1x128xf32, #tpu.memory_space<vmem>>, vector<1x128xf32>
    %add3A_27 = arith.addf %add3A, %get3A_26 : vector<1x128xf32>
    %get3A_28 = arith.constant 0 : index
    %get3A_29 = arith.constant 0 : index
    %get3A_30 = vector.load %arg11[%get3A_28, %get3A_29] : memref<128x128xf32, #tpu.memory_space<vmem>>, vector<128x128xf32>
    %get3A_31 = arith.constant 0 : index
    %get3A_32 = arith.constant 0 : index
    %get3A_33 = vector.load %arg13[%get3A_31, %get3A_32] : memref<128x128xf32, #tpu.memory_space<vmem>>, vector<128x128xf32>
    %dot_general3A_34 = arith.constant dense<0.000000e+00> : vector<128x128xf32>
    %dot_general3A_35 = tpu.matmul %get3A_30, %get3A_33, %dot_general3A_34 {dimension_numbers = #tpu.dot_dimension_numbers<[1], [0], [0], [1], [0, 0, 1, 1], [], []>, transpose_lhs_hint = false} : vector<128x128xf32>, vector<128x128xf32>, vector<128x128xf32> -> vector<128x128xf32>
    %get3A_36 = arith.constant 0 : index
    %get3A_37 = arith.constant 0 : index
    %get3A_38 = vector.load %arg9[%get3A_36, %get3A_37] : memref<256x128xf32, #tpu.memory_space<vmem>>, vector<256x128xf32>
    %dot_general3A_39 = arith.constant dense<0.000000e+00> : vector<256x128xf32>
    %dot_general3A_40 = tpu.matmul %get3A_38, %dot_general3A_35, %dot_general3A_39 {dimension_numbers = #tpu.dot_dimension_numbers<[1], [0], [0], [1], [0, 0, 1, 1], [], []>, transpose_lhs_hint = false} : vector<256x128xf32>, vector<128x128xf32>, vector<256x128xf32> -> vector<256x128xf32>
    %get3A_41 = arith.constant 0 : index
    %get3A_42 = arith.constant 0 : index
    %get3A_43 = vector.load %arg10[%get3A_41, %get3A_42] : memref<1x128xf32, #tpu.memory_space<vmem>>, vector<1x128xf32>
    %dot_general3A_44 = arith.constant dense<0.000000e+00> : vector<1x128xf32>
    %dot_general3A_45 = tpu.matmul %get3A_43, %dot_general3A_35, %dot_general3A_44 {dimension_numbers = #tpu.dot_dimension_numbers<[1], [0], [0], [1], [0, 0, 1, 1], [], []>, transpose_lhs_hint = false} : vector<1x128xf32>, vector<128x128xf32>, vector<1x128xf32> -> vector<1x128xf32>
    %get3A_46 = arith.constant 0 : index
    %get3A_47 = arith.constant 0 : index
    %get3A_48 = vector.load %arg12[%get3A_46, %get3A_47] : memref<1x128xf32, #tpu.memory_space<vmem>>, vector<1x128xf32>
    %get3A_49 = arith.constant 0 : index
    %get3A_50 = arith.constant 0 : index
    %get3A_51 = vector.load %arg13[%get3A_49, %get3A_50] : memref<128x128xf32, #tpu.memory_space<vmem>>, vector<128x128xf32>
    %dot_general3A_52 = arith.constant dense<0.000000e+00> : vector<1x128xf32>
    %dot_general3A_53 = tpu.matmul %get3A_48, %get3A_51, %dot_general3A_52 {dimension_numbers = #tpu.dot_dimension_numbers<[1], [0], [0], [1], [0, 0, 1, 1], [], []>, transpose_lhs_hint = false} : vector<1x128xf32>, vector<128x128xf32>, vector<1x128xf32> -> vector<1x128xf32>
    %add3A_54 = arith.addf %dot_general3A_45, %dot_general3A_53 : vector<1x128xf32>
    %get3A_55 = arith.constant 0 : index
    %get3A_56 = arith.constant 0 : index
    %get3A_57 = vector.load %arg14[%get3A_55, %get3A_56] : memref<1x128xf32, #tpu.memory_space<vmem>>, vector<1x128xf32>
    %add3A_58 = arith.addf %add3A_54, %get3A_57 : vector<1x128xf32>
    %slice3A = vector.extract_strided_slice %dot_general3A_40 {offsets = [0, 0], sizes = [128, 128], strides = [1, 1]} : vector<256x128xf32> to vector<128x128xf32>
    %slice3A_59 = vector.extract_strided_slice %dot_general3A_40 {offsets = [128, 0], sizes = [128, 128], strides = [1, 1]} : vector<256x128xf32> to vector<128x128xf32>
    %slice3A_60 = vector.extract_strided_slice %dot_general3A_10 {offsets = [0, 0], sizes = [128, 128], strides = [1, 1]} : vector<144x128xf32> to vector<128x128xf32>
    %dot_general3A_61 = arith.constant dense<0.000000e+00> : vector<128x128xf32>
    %dot_general3A_62 = tpu.matmul %slice3A_60, %slice3A_59, %dot_general3A_61 {dimension_numbers = #tpu.dot_dimension_numbers<[1], [0], [0], [1], [0, 0, 1, 1], [], []>, transpose_lhs_hint = false} : vector<128x128xf32>, vector<128x128xf32>, vector<128x128xf32> -> vector<128x128xf32>
    %slice3A_63 = vector.extract_strided_slice %dot_general3A_10 {offsets = [128, 0], sizes = [16, 128], strides = [1, 1]} : vector<144x128xf32> to vector<16x128xf32>
    %dot_general3A_64 = arith.constant dense<0.000000e+00> : vector<16x128xf32>
    %dot_general3A_65 = tpu.matmul %slice3A_63, %slice3A_59, %dot_general3A_64 {dimension_numbers = #tpu.dot_dimension_numbers<[1], [0], [0], [1], [0, 0, 1, 1], [], []>, transpose_lhs_hint = false} : vector<16x128xf32>, vector<128x128xf32>, vector<16x128xf32> -> vector<16x128xf32>
    %dot_general3A_66 = arith.constant dense<0.000000e+00> : vector<1x128xf32>
    %dot_general3A_67 = tpu.matmul %add3A_27, %slice3A_59, %dot_general3A_66 {dimension_numbers = #tpu.dot_dimension_numbers<[1], [0], [0], [1], [0, 0, 1, 1], [], []>, transpose_lhs_hint = false} : vector<1x128xf32>, vector<128x128xf32>, vector<1x128xf32> -> vector<1x128xf32>
    %get3A_68 = arith.constant 0 : index
    %get3A_69 = arith.constant 0 : index
    %get3A_70 = vector.load %arg0[%get3A_68, %get3A_69] : memref<10000x128xf32, #tpu.memory_space<vmem>>, vector<10000x128xf32>
    %dot_general3A_71 = arith.constant dense<0.000000e+00> : vector<10000x128xf32>
    %dot_general3A_72 = tpu.matmul %get3A_70, %slice3A, %dot_general3A_71 {dimension_numbers = #tpu.dot_dimension_numbers<[1], [0], [0], [1], [0, 0, 1, 1], [], []>, transpose_lhs_hint = false} : vector<10000x128xf32>, vector<128x128xf32>, vector<10000x128xf32> -> vector<10000x128xf32>
    %get3A_73 = arith.constant 0 : index
    %get3A_74 = arith.constant 0 : index
    %get3A_75 = vector.load %arg1[%get3A_73, %get3A_74] : memref<10240x128xf32, #tpu.memory_space<vmem>>, vector<10000x128xf32>
    %dot_general3A_76 = arith.constant dense<0.000000e+00> : vector<10000x128xf32>
    %dot_general3A_77 = tpu.matmul %get3A_75, %dot_general3A_62, %dot_general3A_76 {dimension_numbers = #tpu.dot_dimension_numbers<[1], [0], [0], [1], [0, 0, 1, 1], [], []>, transpose_lhs_hint = false} : vector<10000x128xf32>, vector<128x128xf32>, vector<10000x128xf32> -> vector<10000x128xf32>
    %add3A_78 = arith.addf %dot_general3A_72, %dot_general3A_77 : vector<10000x128xf32>
    %get3A_79 = arith.constant 0 : index
    %get3A_80 = arith.constant 0 : index
    %get3A_81 = vector.load %arg2[%get3A_79, %get3A_80] : memref<10240x128xf32, #tpu.memory_space<vmem>>, vector<10000x16xf32>
    %dot_general3A_82 = arith.constant dense<0.000000e+00> : vector<10000x128xf32>
    %dot_general3A_83 = tpu.matmul %get3A_81, %dot_general3A_65, %dot_general3A_82 {dimension_numbers = #tpu.dot_dimension_numbers<[1], [0], [0], [1], [0, 0, 1, 1], [], []>, transpose_lhs_hint = false} : vector<10000x16xf32>, vector<16x128xf32>, vector<10000x128xf32> -> vector<10000x128xf32>
    %add3A_84 = arith.addf %add3A_78, %dot_general3A_83 : vector<10000x128xf32>
    %get3A_85 = arith.constant 0 : index
    %get3A_86 = arith.constant 16 : index
    %get3A_87 = vector.load %arg2[%get3A_85, %get3A_86] : memref<10240x128xf32, #tpu.memory_space<vmem>>, vector<10000x1xf32>
    %mul3A = vector.broadcast %get3A_87 : vector<10000x1xf32> to vector<10000x128xf32>
    %mul3A_88 = vector.broadcast %dot_general3A_67 : vector<1x128xf32> to vector<10000x128xf32>
    %mul3A_89 = arith.mulf %mul3A, %mul3A_88 : vector<10000x128xf32>
    %add3A_90 = arith.addf %add3A_84, %mul3A_89 : vector<10000x128xf32>
    %add3A_91 = vector.broadcast %add3A_58 : vector<1x128xf32> to vector<10000x128xf32>
    %add3A_92 = arith.addf %add3A_90, %add3A_91 : vector<10000x128xf32>
    %swap3A = arith.constant 0 : index
    %swap3A_93 = arith.constant 0 : index
    %swap3A_94 = vector.load %arg15[%swap3A, %swap3A_93] : memref<10000x128xf32, #tpu.memory_space<vmem>>, vector<10000x128xf32>
    tpu.vector_store %arg15[%swap3A, %swap3A_93], %add3A_92 {strides = array<i32>} : memref<10000x128xf32, #tpu.memory_space<vmem>>, vector<10000x128xf32>,
    return
  }
}

</mosaic_0001>

<sc_bundles>
// kernel: kernel.4.cloned.1.call-start
scs
__scs_entry_jumppad:
0x0: {  	(pc) =	sbr.rel $0x88, $3  }
0x1: {  	(tag) =	ssettag $0x0;
	lr =	simm.s32 $0x1  }
0x2: {  	[smem:$0x3F92] =	sst lr;
	_ =	strace $0xD0000000  }
0x3: {  	_ = 	snop  }
0x4: {  	_ = 	snop  }
0x5: {  	_ = 	snop  }
0x6: {  	_ = 	snop  }
0x7: {  	_ = 	snop  }
__scs_overlays_trampoline_lowered:
0x8: {  	[smem:$0x3FA1] =	sst s0  }
0x9: {  	[smem:$0x3FA2] =	sst s1  }
0xa: {  	[smem:$0x3FA3] =	sst s2  }
0xb: {  	[smem:$0x3FA4] =	sst s3  }
0xc: {  	[smem:$0x3FA5] =	sst s4  }
0xd: {  	[smem:$0x3FA6] =	sst s5  }
0xe: {  	[smem:$0x3FA7] =	sst s6  }
0xf: {  	[smem:$0x3FA8] =	sst s7  }
0x10: {  	[smem:$0x3FA9] =	sst s8  }
0x11: {  	[smem:$0x3FAA] =	sst s9;
	s0 =	simm.s32 @!p0 $0x0  }
0x12: {  	s1 =	sld [smem:$0x3F90];
	s0 =	simm.s32 @p0 $0x1  }
0x13: {  	[smem:$0x3FAB] =	sst s0;
	s0 =	simm.s32 @!p1 $0x0  }
0x14: {  	s2 =	sld [smem:$0x3F8F];
	s0 =	simm.s32 @p1 $0x1  }
0x15: {  	[smem:$0x3FAC] =	sst s0;
	s0 =	simm.s32 @!p2 $0x0  }
0x16: {  	s3 =	sld [smem:$0x3FDB];
	s0 =	simm.s32 @p2 $0x1  }
0x17: {  	s4 =	simm.s32 $0x1BF5;
	[smem:$0x3FAE] =	sst s0  }
0x18: {  	s0 =	sld [smem:$0x3F91];
	_ =	swait.ge [sflag:s4], $0x0  }
0x19: {  	s7 =	sld [smem:$0x3F92]  }
0x1a: {  	s8 =	sadd.s32 $0xFFFFE003, lr  }
0x1b: {  	s9 =	sadd.s32 $0xFFFFFEF7, lr;
	s5 =	simm.s32 $0xFFFFFFFF;
	p2 =	slt.u32 s8, $0xFFFFF086  }
0x1c: {  	p1 =	slt.u32 s9, $0xF7A;
	s5 =	simm.s32 @!p2 $0x0  }
0x1d: {  	s5 =	simm.s32 @p1 $0x1;
	p0 =	seq.s32 s7, s2  }
0x1e: {  	s7 =	smul.u32 @!p0 $0xF7A, s2;
	p2 =	seq.s32 @!p0 s5, $0x0  }
0x1f: {  	s9 =	smul.u32 $0xF7A, s1;
	s8 =	simm.s32 @!p0 $0x1BF5;
	p2 =	por !p2, p0  }
0x20: {  	[sflag:s8] =	ssyncset.s32 @!p0 $0xFFFFF086;
	s6 =	sadd.s32 @!p0 s3, s7;
	s7 =	simm.s32 @!p0 $0x108  }
0x21: {  	s3 =	sadd.s32 s3, s9;
	s6 =	sadd.s32 @!p0 $0x88, s6;
	s7 =	simm.s32 @p2 $0x1082  }
0x22: {  	[simem:s7], [sflag:s8] =	dma.local @!p0 [hbm:s6], $0xF7A  }
0x23: {  	s9 =	sor.u32 $0xD0000000, s2;
	s6 =	simm.s32 $0x108;
	_ =	swait.ge @!p0 [sflag:s8], $0x0  }
0x24: {  	s3 =	sadd.s32 $0x88, s3;
	s6 =	simm.s32 @!p1 $0x1082;
	[sflag:s4] =	ssyncset.s32 $0xFFFFF086  }
0x25: {  	[simem:s6], [sflag:s4] =	dma.local [hbm:s3], $0xF7A  }
0x26: {  	[smem:$0x3F92] =	sst s1;
	(tag) =	ssettag s2;
	_ =	strace s9  }
0x27: {  	s1 =	sld [smem:$0x3FA2]  }
0x28: {  	s2 =	sld [smem:$0x3FA3]  }
0x29: {  	s4 =	sld [smem:$0x3FA5]  }
0x2a: {  	p0 =	seq.s32 s5, $0x0;
	s5 =	sld [smem:$0x3FA6]  }
0x2b: {  	s6 =	sld [smem:$0x3FA7]  }
0x2c: {  	s7 =	sld [smem:$0x3FA8]  }
0x2d: {  	s3 =	simm.s32 $0x108;
	s8 =	sld [smem:$0x3FA9]  }
0x2e: {  	s3 =	simm.s32 @!p0 $0x1082;
	s9 =	sld [smem:$0x3FAA]  }
0x2f: {  	lr =	sadd.s32 s0, s3;
	s0 =	sld [smem:$0x3FA1]  }
0x30: {  	s3 =	sld [smem:$0x3FA4]  }
0x31: {  	[smem:$0x3FAD] =	sst s10  }
0x32: {  	s10 =	sld [smem:$0x3FAB];
	_ =	sdelay $0x3  }
0x33: {  	p0 =	seq.s32 s10, $0x1;
	s10 =	sld [smem:$0x3FAD];
	_ =	sdelay $0x3  }
0x34: {  	[smem:$0x3FAD] =	sst s10  }
0x35: {  	s10 =	sld [smem:$0x3FAC];
	_ =	sdelay $0x3  }
0x36: {  	p1 =	seq.s32 s10, $0x1;
	s10 =	sld [smem:$0x3FAD];
	_ =	sdelay $0x3  }
0x37: {  	[smem:$0x3FAD] =	sst s10  }
0x38: {  	s10 =	sld [smem:$0x3FAE]  }
0x39: {  	_ = 	snop;
	(pc) =	sbr.ind lr, $3  }
0x3a: {  	_ = 	snop  }
0x3b: {  	_ = 	snop  }
0x3c: {  	p2 =	seq.s32 s10, $0x1;
	s10 =	sld [smem:$0x3FAD]  }
0x3d: {  	_ =	shalt  }
0x3e: {  	_ =	shalt  }
0x3f: {  	_ =	shalt  }
0x40: {  	_ =	shalt  }
0x41: {  	_ =	shalt  }
0x42: {  	_ =	shalt  }
0x43: {  	_ =	shalt  }
0x44: {  	_ =	shalt  }
0x45: {  	_ =	shalt  }
0x46: {  	_ =	shalt  }
0x47: {  	_ =	shalt  }
0x48: {  	_ =	shalt  }
0x49: {  	_ =	shalt  }
0x4a: {  	_ =	shalt  }
0x4b: {  	_ =	shalt  }
0x4c: {  	_ =	shalt  }
0x4d: {  	_ =	shalt  }
0x4e: {  	_ =	shalt  }
0x4f: {  	_ =	shalt  }
0x50: {  	_ =	shalt  }
0x51: {  	_ =	shalt  }
0x52: {  	_ =	shalt  }
0x53: {  	_ =	shalt  }
0x54: {  	_ =	shalt  }
0x55: {  	_ =	shalt  }
0x56: {  	_ =	shalt  }
0x57: {  	_ =	shalt  }
0x58: {  	_ =	shalt  }
0x59: {  	_ =	shalt  }
0x5a: {  	_ =	shalt  }
0x5b: {  	_ =	shalt  }
0x5c: {  	_ =	shalt  }
0x5d: {  	_ =	shalt  }
0x5e: {  	_ =	shalt  }
0x5f: {  	_ =	shalt  }
0x60: {  	_ =	shalt  }
0x61: {  	_ =	shalt  }
0x62: {  	_ =	shalt  }
0x63: {  	_ =	shalt  }
0x64: {  	_ =	shalt  }
0x65: {  	_ =	shalt  }
0x66: {  	_ =	shalt  }
0x67: {  	_ =	shalt  }
0x68: {  	_ =	shalt  }
0x69: {  	_ =	shalt  }
0x6a: {  	_ =	shalt  }
0x6b: {  	_ =	shalt  }
0x6c: {  	_ =	shalt  }
0x6d: {  	_ =	shalt  }
0x6e: {  	_ =	shalt  }
0x6f: {  	_ =	shalt  }
0x70: {  	_ =	shalt  }
0x71: {  	_ =	shalt  }
0x72: {  	_ =	shalt  }
0x73: {  	_ =	shalt  }
0x74: {  	_ =	shalt  }
0x75: {  	_ =	shalt  }
0x76: {  	_ =	shalt  }
0x77: {  	_ =	shalt  }
0x78: {  	_ =	shalt  }
0x79: {  	_ =	shalt  }
0x7a: {  	_ =	shalt  }
0x7b: {  	_ =	shalt  }
0x7c: {  	_ =	shalt  }
0x7d: {  	_ =	shalt  }
0x7e: {  	_ =	shalt  }
0x7f: {  	_ =	shalt  }
0x80: {  	_ =	shalt  }
0x81: {  	_ =	shalt  }
0x82: {  	_ =	shalt  }
0x83: {  	_ =	shalt  }
0x84: {  	_ =	shalt  }
0x85: {  	_ =	shalt  }
0x86: {  	_ =	shalt  }
0x87: {  	_ =	shalt  }
.Lfunc_end0:
.L_simem_size_0:
called_computation_lowered:
.L_overlay_start_0:
0x88: {  	s2 =	sld [smem:$0x3FD9]  }
0x89: {  	s3 =	sld [smem:$0x3FFE];
	_ =	sdelay $0x1  }
0x8a: {  	s1 =	srdreg.scid  }
0x8b: {  	s0 =	sand.u32 $0x1, s1  }
0x8c: {  	s17 =	sshll.u32 s0, $0xA;
	s2 =	sadd.s32 s3, s2  }
0x8d: {  	s2 =	sadd.s32 s2, s17  }
0x8e: {  	[smem:$0x3FB9] =	sst s2  }
0x8f: {  	_ = 	snop  }
0x90: {  	s2 =	sld [smem:$0x3FD0];
	(tm) =	ssettm $0x1  }
0x91: {  	s18 =	sld [smem:$0x3FFB];
	_ =	sdelay $0x3  }
0x92: {  	_ =	strace s18  }
0x93: {  	s3 =	sld [smem:$0x3FFC];
	_ =	sdelay $0x3  }
0x94: {  	_ =	strace s3  }
0x95: {  	s3 =	sld [smem:$0x3FFD];
	_ =	sdelay $0x3  }
0x96: {  	_ =	strace s3  }
0x97: {  	_ =	strace $0x8FFFFFFF  }
0x98: {  	s19 =	sld [smem:$0x3FDB];
	_ =	sdelay $0x1  }
0x99: {  	s4 =	simm.s32 $_scs_section_size  }
0x9a: {  	s5 =	simm.s32 $_size__tile_overlayer_lowered;
	s6 =	simm.s32 $_tile_overlayer_lowered  }
0x9b: {  	s22 =	simm.s32 $0x1BFF;
	s21 =	sshll.u32 s6, $0x1;
	s3 =	sadd.s32 s4, s19  }
0x9c: {  	s7 =	simm.s32 $0x0;
	s20 =	sshll.u32 s5, $0x1;
	s5 =	sadd.s32 s21, s3  }
0x9d: {  	[timem:s7], [sflag:s22] =	dma.local [hbm:s5], s20  }
0x9e: {  	_ =	swait.ge [sflag:s22], s20  }
0x9f: {  	s4 =	ssub.s32 $0x0, s20;
	[sflag:s22] =	ssyncset.done $0x0  }
0xa0: {  	[sflag:s22] =	ssyncadd.s32 s4;
	_ =	sdelay $0x1  }
0xa1: {  	s23 =	simm.s32 $0x1B8B  }
0xa2: {  	_ =	swait.ge [sflag:s23], $0x1  }
0xa3: {  	[sflag:s23] =	ssyncset.done $0x0  }
0xa4: {  	s25 =	simm.s32 $0x1B8E;
	s24 =	sld [smem:$0x3FFE];
	[sflag:s23] =	ssyncadd.s32 $0xFFFFFFFF  }
0xa5: {  	s26 =	simm.s32 $execute0_lowered;
	[smem:$0x3FD2] =	sst s25  }
0xa6: {  	s5 =	sshll.u32 s26, $0x1;
	_ =	strace $0x80000046;
	[dreg:$0x1] =	wrdreg $0xFFFFFFFF  }
0xa7: {  	s28 =	simm.s32 $_size_execute0_lowered;
	s3 =	sadd.s32 s3, s5;
	[dreg:$0x0] =	wrdreg $0x0  }
0xa8: {  	s5 =	sshll.u32 s28, $0x1;
	[dreg:$0x2] =	wrdreg s3  }
0xa9: {  	[dreg:$0x3] =	wrdreg s5  }
0xaa: {  	[dreg:$0x4] =	wrdreg $0xC0  }
0xab: {  	_ =	task [dreg:s7], $0x5FFFF  }
0xac: {  	[dreg:$0x1] =	wrdreg $0xFFFFFFFF  }
0xad: {  	[dreg:$0x0] =	wrdreg $0x60  }
0xae: {  	[dreg:$0x2] =	wrdreg s2  }
0xaf: {  	[dreg:$0x3] =	wrdreg s24  }
0xb0: {  	[dreg:$0x4] =	wrdreg $0x10C000  }
0xb1: {  	[dreg:$0x5] =	wrdreg $0x1AC000  }
0xb2: {  	[dreg:$0x6] =	wrdreg $0x9  }
0xb3: {  	_ =	task.clear_ibuf [dreg:s7], $0x7FFFF;
	_ =	strace $0x90000046  }
0xb4: {  	s29 =	simm.s32 $0x9;
	_ =	strace $0x80000048  }
0xb5: {  	_ =	swait.ge [sflag:s29], $0x1  }
0xb6: {  	[sflag:s29] =	ssyncadd.s32 $0xFFFFFFFF  }
0xb7: {  	_ =	strace $0x90000048  }
0xb8: {  	_ =	sfence  }
0xb9: {  	s30 =	sld [smem:$0x0];
	_ =	sdelay $0x2  }
0xba: {  	s31 =	sshll.u32 s1, $0xD;
	s1 =	sshrl.u32 s1, $0x2  }
0xbb: {  	s3 =	sand.u32 $0x4000, s31;
	s1 =	sadd.s32 s1, s30  }
0xbc: {  	s0 =	sor.u32 s3, s0;
	s1 =	sshll.u32 s1, $0x11  }
0xbd: {  	s0 =	sor.u32 s1, s0  }
0xbe: {  	s0 =	sadd.s32 $0x8F2B, s0  }
0xbf: {  	[sflag:s0] =	ssyncadd.remote.s32 $0x1  }
0xc0: {  	_ =	sfence.sel $0xFFFF  }
0xc1: {  	[dreg:$0x0] =	wrdreg $0xFFFFFFFF;
	(pc) =	sbr.abs _section_cstart, $3  }
0xc2: {  	[dreg:$0x1] =	wrdreg $0xFFFFFFFF  }
0xc3: {  	_ =	task.clear_ibuf [dreg:s7], $0x2FFFF;
	_ =	strace $0x9FFFFFFF  }
0xc4: {  	(tm) =	ssettm $0x7FFFFFFF  }
0xc5: {  	_ =	shalt  }
tec
execute0_lowered:
.L_overlay_start_1:
0x0: {  	(tag) =	ssettag $0x1  }
0x1: {  	s2 =	rddreg [dreg:$0x0]  }
0x2: {  	s0 =	rddreg [dreg:$0x1]  }
0x3: {  	s3 =	rddreg [dreg:$0x2]  }
0x4: {  	s19 =	stileid.u32;
	s4 =	rddreg [dreg:$0x3];
	s6 =	simm.s32 $0x0  }
0x5: {  	s25 =	srdreg.scid;
	s29 =	simm.s32 $0xA800;
	s5 =	smul.u32 $0x4F00, s19  }
0x6: {  	s30 =	simm.s32 $0x7;
	s31 =	simm.s32 $0xF800;
	s8 =	smul.u32 $0x9E00, s19  }
0x7: {  	[smem:$0x7FF] =	sst s6;
	s7 =	sadd.s32 $0x2800, s0;
	s26 =	smul.u32 $0x280, s19  }
0x8: {  	s9 =	sadd.s32 $0x21000, s0;
	s10 =	sadd.s32 $0x20200, s0;
	s12 =	smul.u32 $0x28000, s19  }
0x9: {  	s11 =	sadd.s32 $0x20C00, s0;
	s13 =	sadd.s32 $0x21200, s0;
	s15 =	smul.u32 $0xA000, s19  }
0xa: {  	s20 =	smul.u32 $0x14000, s19;
	_ =	strace $0x80000047;
	[dreg:$0x5] =	wrdreg s9  }
0xb: {  	p1 =	sne.s32 s19, $0xF;
	[dreg:$0x6] =	wrdreg s10;
	s9 =	sand.u32 $0x1, s25  }
0xc: {  	[dreg:$0x7] =	wrdreg s11;
	s1 =	sshrl.u32 s5, $0x3;
	s8 =	sadd.s32 s8, s0  }
0xd: {  	s28 =	ssub.s32 $0x2, s9;
	p0 =	seq.s32 s9, $0x0;
	s12 =	sshrl.u32 s12, $0x2  }
0xe: {  	s16 =	sshrl.u32 s15, $0x2;
	s10 =	sadd.s32 $0x140, s26;
	s26 =	sshll.u32 s9, $0x4  }
0xf: {  	p2 =	sne.s32 s9, $0x0;
	s1 =	sadd.s32 s1, s0;
	s14 =	sshrl.u32 s28, $0x1  }
0x10: {  	s0 =	sadd.s32 $0x49200, s0;
	s22 =	sadd.s32 s12, s3;
	s17 =	sshll.u32 s10, $0x6  }
0x11: {  	s18 =	sshll.u32 s10, $0x4;
	s10 =	sshll.u32 s10, $0x7;
	s19 =	sadd.s32 $0x4F8400, s8  }
0x12: {  	p1 =	por !p0, !p1;
	s11 =	ssub.s32 s28, s14;
	s14 =	sadd.s32 s16, s4  }
0x13: {  	s23 =	sadd.s32 s17, s3;
	s16 =	smul.u32 $0x4F000, s9;
	s17 =	sshll.u32 s9, $0x6  }
0x14: {  	s25 =	sadd.s32 s18, s4;
	s28 =	sor.u32 s26, s20;
	[dreg:$0x11] =	wrdreg s19  }
0x15: {  	s1 =	sadd.s32 $0x16400, s1;
	p1 =	por !p1, !p1;
	[dreg:$0x8] =	wrdreg s22  }
0x16: {  	s9 =	simm.s32 $0x80;
	s19 =	simm.s32 $0x7000;
	[dreg:$0xd] =	wrdreg s1  }
0x17: {  	s21 =	sor.u32 s17, s20;
	s17 =	sor.u32 s17, s10;
	[dreg:$0x9] =	wrdreg s14  }
0x18: {  	s10 =	sor.u32 s26, s10;
	s26 =	sadd.s32 $0x4F8700, s8;
	[dreg:$0xa] =	wrdreg s23  }
0x19: {  	[dreg:$0xe] =	wrdreg s25;
	s16 =	sadd.s32 s5, s16;
	s12 =	sshrl.u32 s21, $0x3  }
0x1a: {  	s17 =	sshrl.u32 s17, $0x3;
	s18 =	sshrl.u32 s10, $0x3;
	s21 =	smax.u32 s11, $0x1  }
0x1b: {  	[dreg:$0x14] =	wrdreg s26;
	s10 =	simm.s32 $0x5000;
	s12 =	sadd.s32 s13, s12  }
0x1c: {  	s24 =	sadd.s32 s13, s17;
	s15 =	sshrl.u32 s16, $0x3;
	s17 =	sshrl.u32 s28, $0x3  }
0x1d: {  	s20 =	sadd.s32 $0x180, s16;
	[dreg:$0x12] =	wrdreg s21;
	s26 =	sadd.s32 $0x100, s16  }
0x1e: {  	s16 =	simm.s32 $0x5;
	s21 =	simm.s32 $0x2;
	[dreg:$0xb] =	wrdreg s12  }
0x1f: {  	[dreg:$0xc] =	wrdreg s24;
	s12 =	sadd.s32 s7, s15;
	s1 =	sadd.s32 s0, s17  }
0x20: {  	s0 =	sadd.s32 s0, s18;
	s24 =	sadd.s32 $0x4F8500, s8;
	s8 =	simm.s32 $0x1  }
.Ltmp0:
0x21: {  	s15 =	simm.s32 $0x3;
	[dreg:$0xf] =	wrdreg s1;
	(pc) =	sbr.rel .LBB2_1-.Ltmp0, $4  }
0x22: {  	s17 =	simm.s32 $0x4;
	[dreg:$0x10] =	wrdreg s0;
	s0 =	sshrl.u32 s20, $0x3  }
0x23: {  	[dreg:$0x13] =	wrdreg s24;
	s28 =	sadd.s32 $0x10, s12;
	s1 =	simm.s32 $0x4F80  }
0x24: {  	s20 =	simm.s32 $0x6;
	s0 =	sadd.s32 s0, s7;
	[dreg:$0x16] =	wrdreg s28  }
0x25: {  	s24 =	simm.s32 $0x0;
	[dreg:$0x15] =	wrdreg s0;
	s0 =	simm.s32 $0x4F00  }
.LBB2_16:
0x26: {  	_ =	swait.ge [sflag:s20], $0x800  }
0x27: {  	[sflag:s20] =	ssyncset.done $0x0  }
0x28: {  	s11 =	simm.s32 $0x9800;
	[sflag:s20] =	ssyncadd.s32 $0xFFFFF800  }
.LBB2_18:
0x29: {  	s13 =	simm.s32 $0x4E80  }
0x2a: {  	[spmem:s4] =	stream.indirect.scatter.add.f32 [tilespmem:s11], [sflag:$0x7], $0x10, s13, s9, $0xb8;
	[tilespmem:$0x1D400] =	vst v63  }
0x2b: {  	_ =	swait.ge [sflag:s30], $0x800  }
0x2c: {  	[sflag:s30] =	ssyncset.done $0x0  }
0x2d: {  	[sflag:s30] =	ssyncadd.s32 $0xFFFFF800  }
.LBB2_19:
0x2e: {  	_ =	swait.ge [sflag:s21], $0x80  }
0x2f: {  	[sflag:s21] =	ssyncset.done $0x0  }
0x30: {  	[sflag:s21] =	ssyncadd.s32 $0xFFFFFF80  }
0x31: {  	[bflag:$0x0] =	sbarrier.arrive $0xFFFF  }
0x32: {  	[tilespmem:s29], [sflag:$0x7] =	stream.linear.gather [spmem:s22], $0x5000, $0x38;
	[tilespmem:$0x1D400] =	vst v63  }
0x33: {  	_ =	swait.ge [sflag:s30], $0x5000  }
0x34: {  	[sflag:s30] =	ssyncset.done $0x0  }
0x35: {  	s13 =	simm.s32 $0x40;
	s11 =	rddreg [dreg:$0xb];
	[sflag:s30] =	ssyncadd.s32 $0xFFFFB000  }
0x36: {  	[hbm4b:s11+s13] =	stream.strided.scatter [tilespmem:s29], [sflag:$0x7], $0x5000, s9, s13, $0x38;
	[tilespmem:$0x1D400] =	vst v63  }
0x37: {  	_ =	swait.ge [sflag:s30], $0x5000  }
0x38: {  	[sflag:s30] =	ssyncset.done $0x0  }
0x39: {  	[sflag:s30] =	ssyncadd.s32 $0xFFFFB000  }
0x3a: {  	[tilespmem:s31], [sflag:$0x7] =	stream.linear.gather [spmem:s14], $0x1400, $0x38;
	[tilespmem:$0x1D400] =	vst v63  }
0x3b: {  	_ =	swait.ge [sflag:s30], $0x1400  }
0x3c: {  	[sflag:s30] =	ssyncset.done $0x0  }
0x3d: {  	s18 =	simm.s32 $0x10;
	s28 =	rddreg [dreg:$0xf];
	[sflag:s30] =	ssyncadd.s32 $0xFFFFEC00  }
0x3e: {  	[hbm4b:s28+s18] =	stream.strided.scatter [tilespmem:s31], [sflag:$0x7], $0x1400, s9, s18, $0x38;
	[tilespmem:$0x1D400] =	vst v63  }
0x3f: {  	_ =	swait.ge [sflag:s30], $0x1400  }
0x40: {  	[sflag:s30] =	ssyncset.done $0x0  }
0x41: {  	[sflag:s30] =	ssyncadd.s32 $0xFFFFEC00  }
0x42: {  	[tilespmem:s29], [sflag:$0x7] =	stream.linear.gather [spmem:s23], $0x5000, $0x38;
	[tilespmem:$0x1D400] =	vst v63  }
0x43: {  	_ =	swait.ge [sflag:s30], $0x5000  }
0x44: {  	[sflag:s30] =	ssyncset.done $0x0  }
0x45: {  	s28 =	rddreg [dreg:$0xc];
	[sflag:s30] =	ssyncadd.s32 $0xFFFFB000  }
0x46: {  	[hbm4b:s28+s13] =	stream.strided.scatter [tilespmem:s29], [sflag:$0x7], $0x5000, s9, s13, $0x38;
	[tilespmem:$0x1D400] =	vst v63  }
0x47: {  	_ =	swait.ge [sflag:s30], $0x5000  }
0x48: {  	[sflag:s30] =	ssyncset.done $0x0  }
0x49: {  	[sflag:s30] =	ssyncadd.s32 $0xFFFFB000  }
0x4a: {  	[tilespmem:s31], [sflag:$0x7] =	stream.linear.gather [spmem:s25], $0x1400, $0x38;
	[tilespmem:$0x1D400] =	vst v63  }
0x4b: {  	_ =	swait.ge [sflag:s30], $0x1400  }
0x4c: {  	[sflag:s30] =	ssyncset.done $0x0  }
0x4d: {  	s13 =	rddreg [dreg:$0x10];
	[sflag:s30] =	ssyncadd.s32 $0xFFFFEC00  }
0x4e: {  	[hbm4b:s13+s18] =	stream.strided.scatter [tilespmem:s31], [sflag:$0x7], $0x1400, s9, s18, $0x38;
	[tilespmem:$0x1D400] =	vst v63  }
0x4f: {  	_ =	swait.ge [sflag:s30], $0x1400  }
0x50: {  	s24 =	sadd.s32 $0x1, s24;
	s28 =	rddreg [dreg:$0x12]  }
0x51: {  	p3 =	sne.s32 s24, s28  }
.Ltmp1:
0x52: {  	_ = 	snop;
	(pc) =	sbr.rel @!p3 .LBB2_20-.Ltmp1, $3  }
0x53: {  	_ =	sdelay $0x1  }
0x54: {  	[sflag:s30] =	ssyncset.done $0x0  }
0x55: {  	[sflag:s30] =	ssyncadd.s32 $0xFFFFEC00  }
.LBB2_1:
0x56: {  	s11 =	rddreg [dreg:$0x6]  }
0x57: {  	[tilespmem:s29], [sflag:$0x7] =	stream.linear.gather [hbm4b:s11+s6], $0x5000, $0x38;
	[tilespmem:$0x1D400] =	vst v63  }
0x58: {  	_ =	swait.ge [sflag:s30], $0x5000  }
0x59: {  	[sflag:s30] =	ssyncset.done $0x0  }
0x5a: {  	s18 =	rddreg [dreg:$0x7];
	[sflag:s30] =	ssyncadd.s32 $0xFFFFB000  }
0x5b: {  	[tilespmem:s31], [sflag:$0x7] =	stream.linear.gather [hbm4b:s18+s6], $0x1400, $0x38;
	[tilespmem:$0x1D400] =	vst v63  }
0x5c: {  	_ =	swait.ge [sflag:s30], $0x1400  }
0x5d: {  	[sflag:s30] =	ssyncset.done $0x0  }
0x5e: {  	[sflag:s30] =	ssyncadd.s32 $0xFFFFEC00  }
0x5f: {  	[spmem:s22] =	stream.linear.scatter [tilespmem:s29], [sflag:$0x7], $0x5000, $0x38;
	[tilespmem:$0x1D400] =	vst v63  }
0x60: {  	_ =	swait.ge [sflag:s30], $0x5000  }
0x61: {  	[sflag:s30] =	ssyncset.done $0x0  }
0x62: {  	[sflag:s30] =	ssyncadd.s32 $0xFFFFB000  }
0x63: {  	[spmem:s14] =	stream.linear.scatter [tilespmem:s31], [sflag:$0x7], $0x1400, $0x38;
	[tilespmem:$0x1D400] =	vst v63  }
0x64: {  	_ =	swait.ge [sflag:s30], $0x1400  }
0x65: {  	[sflag:s30] =	ssyncset.done $0x0  }
0x66: {  	[sflag:s30] =	ssyncadd.s32 $0xFFFFEC00  }
0x67: {  	[spmem:s23] =	stream.linear.scatter [tilespmem:s29], [sflag:$0x7], $0x5000, $0x38;
	[tilespmem:$0x1D400] =	vst v63  }
0x68: {  	_ =	swait.ge [sflag:s30], $0x5000  }
0x69: {  	[sflag:s30] =	ssyncset.done $0x0  }
0x6a: {  	[sflag:s30] =	ssyncadd.s32 $0xFFFFB000  }
0x6b: {  	[spmem:s25] =	stream.linear.scatter [tilespmem:s31], [sflag:$0x7], $0x1400, $0x38;
	[tilespmem:$0x1D400] =	vst v63  }
0x6c: {  	_ =	swait.ge [sflag:s30], $0x1400  }
0x6d: {  	[sflag:s30] =	ssyncset.done $0x0  }
0x6e: {  	s22 =	rddreg [dreg:$0xd];
	[sflag:s30] =	ssyncadd.s32 $0xFFFFEC00  }
0x6f: {  	[tilespmem:s6], [sflag:$0x7] =	stream.linear.gather [hbm4b:s22+s6], $0x4F00, $0x38;
	[tilespmem:$0x1D400] =	vst v63  }
0x70: {  	_ =	swait.ge [sflag:s30], $0x4F00  }
0x71: {  	[sflag:s30] =	ssyncset.done $0x0  }
0x72: {  	s13 =	simm.s32 $0xA000;
	s23 =	rddreg [dreg:$0x5];
	[sflag:s30] =	ssyncadd.s32 $0xFFFFB100  }
0x73: {  	[tilespmem:s13], [sflag:$0x7] =	stream.linear.gather [hbm4b:s23+s6], $0x800, $0x38;
	[tilespmem:$0x1D400] =	vst v63  }
0x74: {  	_ =	swait.ge [sflag:s30], $0x800  }
0x75: {  	[sflag:s30] =	ssyncset.done $0x0  }
0x76: {  	[sflag:s30] =	ssyncadd.s32 $0xFFFFF800  }
0x77: {  	[bflag:$0x0] =	sbarrier.arrive $0xFFFF  }
0x78: {  	[tilespmem:s0], [sflag:$0x1] =	stream.linear.gather [hbm4b:s12+s6], $0x80, $0x38;
	[tilespmem:$0x1D400] =	vst v63  }
0x79: {  	s25 =	rddreg [dreg:$0x16]  }
0x7a: {  	[tilespmem:s1], [sflag:$0x2] =	stream.linear.gather [hbm4b:s25+s6], $0x80, $0x38;
	[tilespmem:$0x1D400] =	vst v63  }
0x7b: {  	_ =	swait.ge [sflag:s8], $0x80  }
0x7c: {  	[sflag:s8] =	ssyncset.done $0x0  }
0x7d: {  	s11 =	simm.s32 @p2 $0x2;
	[sflag:s8] =	ssyncadd.s32 $0xFFFFFF80  }
0x7e: {  	[tilespmem:s10], [sflag:$0x3] =	stream.indirect.gather [hbm4b:s2+s9], $0x40, s0, s9, $0xb8;
	[tilespmem:$0x1D400] =	vst v63  }
0x7f: {  	_ =	swait.ge @p2 [sflag:s11], $0x80  }
0x80: {  	s18 =	smov.u32 s12;
	s13 =	simm.s32 @p2 $0x7000;
	[sflag:s11] =	ssyncset.done @p2 $0x0  }
0x81: {  	s12 =	simm.s32 @p2 $0x4F80;
	[sflag:s11] =	ssyncadd.s32 @p2 $0xFFFFFF80;
	s11 =	simm.s32 @p2 $0x80  }
0x82: {  	[tilespmem:s13], [sflag:$0x4] =	stream.indirect.gather @p2 [hbm4b:s2+s11], $0x40, s12, s11, $0xb8;
	[tilespmem:$0x1D400] =	vst v63  }
0x83: {  	s11 =	simm.s32 @!p2 $0x0;
	s12 =	simm.s32 @!p2 $0x9000;
	s13 =	rddreg [dreg:$0x11]  }
0x84: {  	[tilespmem:s12], [sflag:$0x5] =	stream.linear.gather @!p2 [hbm4b:s13+s11], $0x800, $0x38;
	[tilespmem:$0x1D400] =	vst v63  }
0x85: {  	s22 =	simm.s32 @!p2 $0x7000;
	s12 =	simm.s32 @!p2 $0x2  }
0x86: {  	s23 =	simm.s32 $0x0;
	s13 =	simm.s32 @!p2 $0x4F80;
	_ =	swait.ge @!p2 [sflag:s12], $0x80  }
.Ltmp2:
0x87: {  	[sflag:s12] =	ssyncset.done @!p2 $0x0;
	s25 =	rddreg [dreg:$0x15];
	(pc) =	sbr.rel .LBB2_2-.Ltmp2, $4  }
0x88: {  	s28 =	rddreg [dreg:$0x14];
	[sflag:s12] =	ssyncadd.s32 @!p2 $0xFFFFFF80;
	s12 =	simm.s32 @!p2 $0x80  }
0x89: {  	[tilespmem:s22], [sflag:$0x4] =	stream.indirect.gather @!p2 [hbm4b:s2+s12], $0x40, s13, s12, $0xb8;
	[tilespmem:$0x1D400] =	vst v63  }
0x8a: {  	s12 =	simm.s32 @!p2 $0x9800;
	s13 =	rddreg [dreg:$0x13];
	s22 =	simm.s32 $0x0  }
0x8b: {  	[tilespmem:s12], [sflag:$0x6] =	stream.linear.gather @!p2 [hbm4b:s13+s11], $0x800, $0x38;
	[tilespmem:$0x1D400] =	vst v63  }
.LBB2_7:
0x8c: {  	_ =	swait.ge [sflag:s20], $0x800  }
0x8d: {  	[sflag:s20] =	ssyncset.done $0x0  }
0x8e: {  	s13 =	simm.s32 $0x9800;
	[sflag:s20] =	ssyncadd.s32 $0xFFFFF800  }
.LBB2_9:
0x8f: {  	[spmem:s4] =	stream.indirect.scatter.add.f32 [tilespmem:s13], [sflag:$0x7], $0x10, s12, s9, $0xb8;
	[tilespmem:$0x1D400] =	vst v63  }
0x90: {  	_ =	swait.ge [sflag:s30], $0x800  }
0x91: {  	[sflag:s30] =	ssyncset.done $0x0  }
0x92: {  	[sflag:s30] =	ssyncadd.s32 $0xFFFFF800  }
.LBB2_10:
0x93: {  	_ =	swait.ge [sflag:s21], $0x80;
	s11 =	sadd.s32 $0x180, s11  }
0x94: {  	[sflag:s21] =	ssyncset.done $0x0;
	p3 =	sgt.u32 @!p2 s11, $0x4E1FF  }
0x95: {  	[sflag:s21] =	ssyncadd.s32 $0xFFFFFF80;
	p3 =	por p3, p2  }
0x96: {  	[tilespmem:s19], [sflag:$0x4] =	stream.indirect.gather [hbm4b:s2+s9], $0x40, s1, s9, $0xb8;
	[tilespmem:$0x1D400] =	vst v63  }
0x97: {  	s23 =	sadd.s32 $0x100, s23;
	s11 =	simm.s32 @!p3 $0x0;
	s12 =	simm.s32 @!p3 $0x9800  }
0x98: {  	[tilespmem:s12], [sflag:$0x6] =	stream.linear.gather @!p3 [hbm4b:s28+s11], $0x800, $0x38;
	[tilespmem:$0x1D400] =	vst v63  }
0x99: {  	p3 =	sne.s32 s23, $0x4E00  }
.Ltmp3:
0x9a: {  	_ = 	snop;
	(pc) =	sbr.rel @!p3 .LBB2_11-.Ltmp3, $2  }
0x9b: {  	_ =	sdelay $0x2  }
0x9c: {  	s22 =	sadd.s32 $0x100, s22;
	s25 =	sadd.s32 $0x20, s25;
	s28 =	sadd.s32 $0x200, s28  }
.LBB2_2:
0x9d: {  	_ =	swait.ge [sflag:s15], $0x2000;
	s11 =	sadd.s32 s23, s26  }
0x9e: {  	[sflag:s15] =	ssyncset.done $0x0;
	s11 =	sshrl.u32 s11, $0x3  }
0x9f: {  	[sflag:s15] =	ssyncadd.s32 $0xFFFFE000;
	s11 =	sadd.s32 s7, s11  }
0xa0: {  	[tilespmem:s0], [sflag:$0x1] =	stream.linear.gather [hbm4b:s11+s6], $0x80, $0x38;
	[tilespmem:$0x1D400] =	vst v63  }
0xa1: {  	s11 =	sadd.s32 s23, s5  }
0xa2: {  	p3 =	slt.u32 s11, $0x4E200  }
0xa3: {  	p3 =	por !p0, !p3  }
0xa4: {  	p3 =	por !p3, !p3  }
.Ltmp4:
0xa5: {  	_ = 	snop;
	(pc) =	sbr.rel @!p3 .LBB2_4-.Ltmp4, $4  }
0xa6: {  	[spmem:s3] =	stream.indirect.scatter.add.f32 [tilespmem:s10], [sflag:$0x7], $0x40, s22, s9, $0xb8;
	[tilespmem:$0x1D400] =	vst v63  }
0xa7: {  	_ =	swait.ge [sflag:s30], $0x2000  }
0xa8: {  	[sflag:s30] =	ssyncset.done $0x0  }
0xa9: {  	[sflag:s30] =	ssyncadd.s32 $0xFFFFE000  }
.Ltmp5:
0xaa: {  	(pc) =	sbr.rel .LBB2_5-.Ltmp5, $4  }
0xab: {  	_ = 	snop  }
0xac: {  	_ =	swait.ge [sflag:s16], $0x800  }
0xad: {  	[sflag:s16] =	ssyncset.done $0x0  }
0xae: {  	s12 =	simm.s32 $0x9000;
	[sflag:s16] =	ssyncadd.s32 $0xFFFFF800  }
.LBB2_4:
.Ltmp6:
0xaf: {  	(pc) =	sbr.rel @p0 .LBB2_6-.Ltmp6, $2  }
0xb0: {  	_ =	sdelay $0x2  }
0xb1: {  	s12 =	simm.s32 $0xA000  }
.LBB2_5:
0xb2: {  	[spmem:s4] =	stream.indirect.scatter.add.f32 [tilespmem:s12], [sflag:$0x7], $0x10, s22, s9, $0xb8;
	[tilespmem:$0x1D400] =	vst v63  }
0xb3: {  	_ =	swait.ge [sflag:s30], $0x800  }
0xb4: {  	[sflag:s30] =	ssyncset.done $0x0  }
0xb5: {  	[sflag:s30] =	ssyncadd.s32 $0xFFFFF800  }
.LBB2_6:
0xb6: {  	_ =	swait.ge [sflag:s8], $0x80;
	s12 =	sadd.s32 $0x100, s11  }
0xb7: {  	[sflag:s8] =	ssyncset.done $0x0;
	p4 =	sgt.u32 @!p2 s12, $0x4E1FF  }
0xb8: {  	[sflag:s8] =	ssyncadd.s32 $0xFFFFFF80;
	p4 =	por p4, p2  }
0xb9: {  	[tilespmem:s10], [sflag:$0x3] =	stream.indirect.gather [hbm4b:s2+s9], $0x40, s0, s9, $0xb8;
	[tilespmem:$0x1D400] =	vst v63  }
0xba: {  	s12 =	sadd.s32 @!p4 $0xFFFFFF00, s28;
	s13 =	simm.s32 @!p4 $0x0;
	s14 =	simm.s32 @!p4 $0x9000  }
0xbb: {  	[tilespmem:s14], [sflag:$0x5] =	stream.linear.gather @!p4 [hbm4b:s12+s13], $0x800, $0x38;
	[tilespmem:$0x1D400] =	vst v63  }
0xbc: {  	_ =	swait.ge [sflag:s17], $0x2000  }
0xbd: {  	[sflag:s17] =	ssyncset.done $0x0  }
0xbe: {  	[sflag:s17] =	ssyncadd.s32 $0xFFFFE000  }
0xbf: {  	[tilespmem:s1], [sflag:$0x2] =	stream.linear.gather [hbm4b:s25+s6], $0x80, $0x38;
	[tilespmem:$0x1D400] =	vst v63  }
.Ltmp7:
0xc0: {  	s12 =	sadd.s32 $0x80, s22;
	(pc) =	sbr.rel @p3 .LBB2_7-.Ltmp7, $4  }
0xc1: {  	[spmem:s3] =	stream.indirect.scatter.add.f32 [tilespmem:s19], [sflag:$0x7], $0x40, s12, s9, $0xb8;
	[tilespmem:$0x1D400] =	vst v63  }
0xc2: {  	_ =	swait.ge [sflag:s30], $0x2000  }
0xc3: {  	[sflag:s30] =	ssyncset.done $0x0  }
0xc4: {  	[sflag:s30] =	ssyncadd.s32 $0xFFFFE000  }
.Ltmp8:
0xc5: {  	(pc) =	sbr.rel @p0 .LBB2_10-.Ltmp8, $4  }
.Ltmp9:
0xc6: {  	(pc) =	sbr.rel @!p0 .LBB2_9-.Ltmp9, $4  }
0xc7: {  	_ = 	snop  }
0xc8: {  	_ = 	snop  }
0xc9: {  	s13 =	simm.s32 $0xA000  }
0xca: {  	_ = 	snop  }
.LBB2_11:
0xcb: {  	_ =	swait.ge [sflag:s15], $0x2000  }
0xcc: {  	[sflag:s15] =	ssyncset.done $0x0  }
0xcd: {  	[sflag:s15] =	ssyncadd.s32 $0xFFFFE000  }
0xce: {  	[tilespmem:s0], [sflag:$0x1] =	stream.linear.gather [hbm4b:s18+s6], $0x80, $0x38;
	[tilespmem:$0x1D400] =	vst v63  }
.Ltmp10:
0xcf: {  	s11 =	simm.s32 $0x4E00;
	(pc) =	sbr.rel @!p1 .LBB2_13-.Ltmp10, $4  }
0xd0: {  	[spmem:s3] =	stream.indirect.scatter.add.f32 [tilespmem:s10], [sflag:$0x7], $0x40, s11, s9, $0xb8;
	[tilespmem:$0x1D400] =	vst v63  }
0xd1: {  	_ =	swait.ge [sflag:s30], $0x2000  }
0xd2: {  	[sflag:s30] =	ssyncset.done $0x0  }
0xd3: {  	s12 =	smov.u32 s18;
	[sflag:s30] =	ssyncadd.s32 $0xFFFFE000  }
.Ltmp11:
0xd4: {  	_ =	swait.ge [sflag:s16], $0x800;
	(pc) =	sbr.rel .LBB2_14-.Ltmp11, $4  }
0xd5: {  	s22 =	rddreg [dreg:$0x8]  }
0xd6: {  	s14 =	rddreg [dreg:$0x9]  }
0xd7: {  	[sflag:s16] =	ssyncset.done $0x0;
	s23 =	rddreg [dreg:$0xa]  }
0xd8: {  	s11 =	simm.s32 $0x9000;
	s25 =	rddreg [dreg:$0xe];
	[sflag:s16] =	ssyncadd.s32 $0xFFFFF800  }
.LBB2_13:
.Ltmp12:
0xd9: {  	(pc) =	sbr.rel @p0 .LBB2_15-.Ltmp12, $4  }
0xda: {  	s22 =	rddreg [dreg:$0x8]  }
0xdb: {  	s14 =	rddreg [dreg:$0x9]  }
0xdc: {  	s23 =	rddreg [dreg:$0xa]  }
0xdd: {  	s11 =	simm.s32 $0xA000;
	s25 =	rddreg [dreg:$0xe]  }
.LBB2_14:
0xde: {  	s13 =	simm.s32 $0x4E00  }
0xdf: {  	[spmem:s4] =	stream.indirect.scatter.add.f32 [tilespmem:s11], [sflag:$0x7], $0x10, s13, s9, $0xb8;
	[tilespmem:$0x1D400] =	vst v63  }
0xe0: {  	_ =	swait.ge [sflag:s30], $0x800  }
0xe1: {  	[sflag:s30] =	ssyncset.done $0x0  }
0xe2: {  	[sflag:s30] =	ssyncadd.s32 $0xFFFFF800  }
.LBB2_15:
0xe3: {  	_ =	swait.ge [sflag:s8], $0x80  }
0xe4: {  	[sflag:s8] =	ssyncset.done $0x0  }
0xe5: {  	[sflag:s8] =	ssyncadd.s32 $0xFFFFFF80  }
0xe6: {  	_ =	swait.ge [sflag:s17], $0x2000  }
0xe7: {  	[sflag:s17] =	ssyncset.done $0x0  }
0xe8: {  	[sflag:s17] =	ssyncadd.s32 $0xFFFFE000  }
0xe9: {  	[tilespmem:s1], [sflag:$0x2] =	stream.linear.gather [hbm4b:s12+s6], $0x80, $0x38;
	[tilespmem:$0x1D400] =	vst v63  }
.Ltmp13:
0xea: {  	s11 =	simm.s32 $0x4E80;
	(pc) =	sbr.rel @p1 .LBB2_16-.Ltmp13, $4  }
0xeb: {  	[spmem:s3] =	stream.indirect.scatter.add.f32 [tilespmem:s19], [sflag:$0x7], $0x40, s11, s9, $0xb8;
	[tilespmem:$0x1D400] =	vst v63  }
0xec: {  	_ =	swait.ge [sflag:s30], $0x2000  }
0xed: {  	[sflag:s30] =	ssyncset.done $0x0  }
0xee: {  	[sflag:s30] =	ssyncadd.s32 $0xFFFFE000  }
.Ltmp14:
0xef: {  	(pc) =	sbr.rel @p0 .LBB2_19-.Ltmp14, $4  }
.Ltmp15:
0xf0: {  	(pc) =	sbr.rel @!p0 .LBB2_18-.Ltmp15, $4  }
0xf1: {  	_ = 	snop  }
0xf2: {  	_ = 	snop  }
0xf3: {  	s11 =	simm.s32 $0xA000  }
0xf4: {  	_ = 	snop  }
.LBB2_20:
0xf5: {  	_ =	sfence.sel $0x180000  }
0xf6: {  	[bflag:$0x0] =	sbarrier.arrive $0xFFFF  }
0xf7: {  	_ =	strace $0x90000047  }
0xf8: {  	s0 =	stileid.u32;
	[bflag:$0x2] =	sbarrier.arrive $0xFFFF  }
0xf9: {  	p0 =	sne.s32 s0, $0x0;
	s0 =	rddreg [dreg:$0x4]  }
0xfa: {  	s0 =	sadd.s32 @!p0 $0x100000, s0  }
0xfb: {  	[sflag:s0] =	ssyncadd.tile.s32 @!p0 $0x1;
	_ =	shalt  }
.Lfunc_end2:
_tile_overlayer_lowered:
.L_overlay_start_2:
0xfc: {  	(tag) =	ssettag $0x2  }
0xfd: {  	s0 =	rddreg [dreg:$0x0];
	s2 =	stileid.u32  }
0xfe: {  	s1 =	rddreg [dreg:$0x1];
	p0 =	sne.s32 s2, $0x0  }
0xff: {  	s3 =	rddreg [dreg:$0x2];
	[bflag:$0x3] =	sbarrier.arrive $0xFFFF;
	s2 =	simm.s32 @!p0 $0x1C07  }
0x100: {  	[timem:s3], [sflag:s2] =	dma.local @!p0 [hbm:s0], s1  }
0x101: {  	s0 =	simm.s32 @!p0 $0x7  }
0x102: {  	_ =	swait.ge @!p0 [sflag:s0], s1  }
0x103: {  	s1 =	ssub.s32 @!p0 $0x0, s1;
	[sflag:s0] =	ssyncset.done @!p0 $0x0  }
0x104: {  	[sflag:s0] =	ssyncadd.s32 @!p0 s1  }
0x105: {  	[bflag:$0x3] =	sbarrier.arrive $0xFFFF  }
0x106: {  	_ =	shalt  }

</sc_bundles>
